<compile_context>
chip_gen: v7x
topology: tpu7x:2x2x1
jax: 0.10.2.dev20260603
libtpu: 0.0.44.dev20260713+nightly
codegen_flags: <defaults>
</compile_context>

<pallas_src>
import jax
import jax.numpy as jnp
from jax import lax
from jax.experimental import pallas as pl
from jax.experimental.pallas import tpu as pltpu
from jax.experimental.pallas import tpu_sc as plsc

N = 100000
L = 16
NW = 16
OWN = N // NW
WIN = 6272
GROUPS = WIN // 64
SHIFT = 12.0
LN2 = 0.6931471805599453


def _butterfly_add(v):
    lane = lax.iota(jnp.int32, L)
    for k in (8, 4, 2, 1):
        v = v + v.at[lane ^ k].get(mode="promise_in_bounds")
    return v


def _sc_body(scores_hbm, mask_hbm, tidx_hbm, out_hbm,
             x_v, m_v, t_v, row_v, out_v, comb_v, shared, sem1, sem2, sem3):
    wid = lax.axis_index("s")
    lo = wid * OWN
    hi = lo + OWN
    swin = pl.multiple_of(jnp.minimum(lo - (lo & 7), N - WIN), 8)

    cx = pltpu.async_copy(scores_hbm.at[pl.ds(swin, WIN)], x_v, sem1)
    cm = pltpu.async_copy(mask_hbm.at[pl.ds(swin, WIN)], m_v, sem2)
    ct = pltpu.async_copy(tidx_hbm, t_v, sem3)
    cx.wait()
    cm.wait()

    lane = lax.iota(jnp.int32, L)

    def subgroup(off, svec, edge):
        x = x_v[pl.ds(off, L)]
        m = m_v[pl.ds(off, L)]
        keep = m > 0
        if edge:
            gidx = swin + off + lane
            keep = keep & (gidx >= lo) & (gidx < hi)
        return svec + jnp.where(keep, jnp.exp(x - SHIFT), 0.0)

    zero = jnp.zeros((L,), jnp.float32)
    edge_vec = zero
    for q in range(4):
        edge_vec = subgroup(q * L, edge_vec, edge=True)
        edge_vec = subgroup((GROUPS - 1) * 64 + q * L, edge_vec, edge=True)

    @plsc.parallel_loop(1, GROUPS - 1, unroll=8,
                        carry=(zero, zero, zero, zero))
    def interior(o, accs):
        base = o * 64
        return tuple(subgroup(base + q * L, accs[q], edge=False)
                     for q in range(4))

    a0, a1, a2, a3 = interior
    s_loc = _butterfly_add(((a0 + a1) + (a2 + a3)) + edge_vec)

    ct.wait()
    t_vec = t_v[...]
    t_scalar = t_vec[0]
    tloc = t_scalar - swin
    a = jnp.clip(tloc - (tloc & 15), 0, WIN - L)
    tv = x_v[pl.ds(a, L)]
    ownv = (t_vec >= lo) & (t_vec < hi)
    t_loc = _butterfly_add(jnp.where((lane == (tloc - a)) & ownv, tv, 0.0))

    row_v[pl.ds(0, L)] = s_loc
    row_v[pl.ds(L, L)] = t_loc
    pltpu.sync_copy(row_v, shared.at[pl.ds(wid * 2 * L, 2 * L)])
    plsc.subcore_barrier()

    @pl.when(wid == 0)
    def _combine():
        pltpu.sync_copy(shared, comb_v)
        s_glob = comb_v[pl.ds(0, L)]
        t_glob = comb_v[pl.ds(L, L)]
        for w in range(1, NW):
            s_glob = s_glob + comb_v[pl.ds(w * 2 * L, L)]
            t_glob = t_glob + comb_v[pl.ds(w * 2 * L + L, L)]

        bits = lax.bitcast_convert_type(s_glob, jnp.int32)
        e_bits = ((bits >> 23) & 0xFF) - 127
        y = e_bits.astype(jnp.float32) * LN2 + (0.5 * LN2)
        for _ in range(4):
            y = y + s_glob * jnp.exp(-y) - 1.0

        out_v[...] = SHIFT + y - t_glob
        pltpu.sync_copy(out_v, out_hbm)


@jax.jit
def _sc_loss(scores, mask_i32, tidx_vec):
    mesh = plsc.VectorSubcoreMesh(
        core_axis_name="c", subcore_axis_name="s", num_cores=1)
    f = pl.kernel(
        _sc_body,
        out_type=jax.ShapeDtypeStruct((L,), jnp.float32),
        mesh=mesh,
        scratch_types=[
            pltpu.VMEM((WIN,), jnp.float32),
            pltpu.VMEM((WIN,), jnp.int32),
            pltpu.VMEM((L,), jnp.int32),
            pltpu.VMEM((2 * L,), jnp.float32),
            pltpu.VMEM((L,), jnp.float32),
            pltpu.VMEM((2 * NW * L,), jnp.float32),
            pltpu.VMEM_SHARED((2 * NW * L,), jnp.float32),
            pltpu.SemaphoreType.DMA,
            pltpu.SemaphoreType.DMA,
            pltpu.SemaphoreType.DMA,
        ],
    )
    return f(scores, mask_i32, tidx_vec)


def kernel(scores, embeddings, target_idx, applicable_mask):
    del embeddings
    mask_i32 = applicable_mask.astype(jnp.int32)
    tidx_vec = jnp.full((L,), target_idx, jnp.int32)
    out = _sc_loss(scores, mask_i32, tidx_vec)
    return out[0]

# --- scband reference (transcript-rebuilt; emitter-appended) ---
"""Pipeline reference for scband-masked-cross-entropy-loss-10642928959577 (READ-ONLY COPY).

The authoritative reference and input builder live on the scoring server;
editing this copy changes nothing except your own understanding.
"""

import jax, jax.numpy as jnp
import numpy as np

N = 100000
D = 128
TARGET_IDX = 12345


def setup_inputs(seed: int = 0) -> dict:
    key = jax.random.key(seed)
    k1, k2, k3 = jax.random.split(key, 3)
    scores = jax.random.normal(k1, (N,), dtype=jnp.float32)
    embeddings = jax.random.normal(k2, (N, D), dtype=jnp.float32)
    applicable_mask = jax.random.randint(k3, (N,), 0, 2).astype(jnp.bool_)
    # The torch module requires the target index to be applicable; force it.
    applicable_mask = applicable_mask.at[TARGET_IDX].set(True)
    return {
        "scores": scores,
        "embeddings": embeddings,
        "target_idx": TARGET_IDX,
        "applicable_mask": applicable_mask,
    }


def reference(scores, embeddings, target_idx, applicable_mask):
    # embeddings is intentionally ignored (API compatibility), matching torch.
    masked_scores = jnp.where(applicable_mask, scores, -jnp.inf)
    # F.cross_entropy(logits.unsqueeze(0), [rel]) == logsumexp(logits) - logits[rel]
    logz = jax.scipy.special.logsumexp(masked_scores)
    loss = logz - jnp.take(scores, target_idx, axis=0)
    return loss

if __name__ == "__main__":
    import jax
    _d = setup_inputs()
    print(jax.jit(kernel)(*tuple(_d.values())))

</pallas_src>

<mosaic_0001>
#map = affine_map<(d0, d1) -> (0)>
module attributes {stable_mosaic.version = 14 : i64} {
  func.func @_sc_body(%arg0: i32, %arg1: i32, %arg2: memref<100000xf32, #tpu.memory_space<hbm>>, %arg3: memref<100000xi32, #tpu.memory_space<hbm>>, %arg4: memref<16xi32, #tpu.memory_space<hbm>>, %arg5: memref<16xf32, #tpu.memory_space<hbm>>, %arg6: memref<6272xf32, #tpu.memory_space<vmem>>, %arg7: memref<6272xi32, #tpu.memory_space<vmem>>, %arg8: memref<16xi32, #tpu.memory_space<vmem>>, %arg9: memref<32xf32, #tpu.memory_space<vmem>>, %arg10: memref<16xf32, #tpu.memory_space<vmem>>, %arg11: memref<512xf32, #tpu.memory_space<vmem>>, %arg12: memref<512xf32, #tpu.memory_space<vmem_shared>>, %arg13: memref<!tpu.dma_semaphore, #tpu.memory_space<semaphore_mem>>, %arg14: memref<!tpu.dma_semaphore, #tpu.memory_space<semaphore_mem>>, %arg15: memref<!tpu.dma_semaphore, #tpu.memory_space<semaphore_mem>>) attributes {dimension_semantics = [#tpu.dimension_semantics<core_parallel>, #tpu.dimension_semantics<subcore_parallel>], iteration_bounds = array<i64: 1, 16>, scalar_prefetch = 0 : i64, scratch_operands = 10 : i64, tpu.core_type = #tpu.core_type<sc_vector_subcore>, window_params = [{transform_indices = #map}, {transform_indices = #map}, {transform_indices = #map}, {transform_indices = #map}]} {
    %mul3A = arith.constant 6250 : i32
    %mul3A_0 = arith.muli %arg1, %mul3A : i32
    %add3A = arith.constant 6250 : i32
    %add3A_1 = arith.addi %mul3A_0, %add3A : i32
    %and3A = arith.constant 7 : i32
    %and3A_2 = arith.andi %mul3A_0, %and3A : i32
    %sub3A = arith.subi %mul3A_0, %and3A_2 : i32
    %min3A = arith.constant 93728 : i32
    %min3A_3 = arith.minsi %sub3A, %min3A : i32
    %multiple_of3A = tpu.assume_multiple %min3A_3, 8 : i32
    %dma_start3A = tpu.memref_slice %arg2[%multiple_of3A] : memref<100000xf32, #tpu.memory_space<hbm>> -> memref<6272xf32, #tpu.memory_space<hbm>>
    %dma_start3A_4 = tpu.memref_slice %arg2[%multiple_of3A] : memref<100000xf32, #tpu.memory_space<hbm>> -> memref<6272xf32, #tpu.memory_space<hbm>>
    tpu.enqueue_dma source(%dma_start3A_4 : memref<6272xf32, #tpu.memory_space<hbm>>) target(%arg6 : memref<6272xf32, #tpu.memory_space<vmem>>) target_semaphore(%arg13 : memref<!tpu.dma_semaphore, #tpu.memory_space<semaphore_mem>>)
    %dma_start3A_5 = tpu.memref_slice %arg3[%multiple_of3A] : memref<100000xi32, #tpu.memory_space<hbm>> -> memref<6272xi32, #tpu.memory_space<hbm>>
    %dma_start3A_6 = tpu.memref_slice %arg3[%multiple_of3A] : memref<100000xi32, #tpu.memory_space<hbm>> -> memref<6272xi32, #tpu.memory_space<hbm>>
    tpu.enqueue_dma source(%dma_start3A_6 : memref<6272xi32, #tpu.memory_space<hbm>>) target(%arg7 : memref<6272xi32, #tpu.memory_space<vmem>>) target_semaphore(%arg14 : memref<!tpu.dma_semaphore, #tpu.memory_space<semaphore_mem>>)
    tpu.enqueue_dma source(%arg4 : memref<16xi32, #tpu.memory_space<hbm>>) target(%arg8 : memref<16xi32, #tpu.memory_space<vmem>>) target_semaphore(%arg15 : memref<!tpu.dma_semaphore, #tpu.memory_space<semaphore_mem>>)
    %dma_wait3A = tpu.memref_slice %arg2[%multiple_of3A] : memref<100000xf32, #tpu.memory_space<hbm>> -> memref<6272xf32, #tpu.memory_space<hbm>>
    %dma_wait3A_7 = tpu.memref_slice %arg2[%multiple_of3A] : memref<100000xf32, #tpu.memory_space<hbm>> -> memref<6272xf32, #tpu.memory_space<hbm>>
    tpu.wait_dma2 semaphore(%arg13 : memref<!tpu.dma_semaphore, #tpu.memory_space<semaphore_mem>>) src(%dma_wait3A_7 : memref<6272xf32, #tpu.memory_space<hbm>>) dst(%arg6 : memref<6272xf32, #tpu.memory_space<vmem>>)
    %dma_wait3A_8 = tpu.memref_slice %arg3[%multiple_of3A] : memref<100000xi32, #tpu.memory_space<hbm>> -> memref<6272xi32, #tpu.memory_space<hbm>>
    %dma_wait3A_9 = tpu.memref_slice %arg3[%multiple_of3A] : memref<100000xi32, #tpu.memory_space<hbm>> -> memref<6272xi32, #tpu.memory_space<hbm>>
    tpu.wait_dma2 semaphore(%arg14 : memref<!tpu.dma_semaphore, #tpu.memory_space<semaphore_mem>>) src(%dma_wait3A_9 : memref<6272xi32, #tpu.memory_space<hbm>>) dst(%arg7 : memref<6272xi32, #tpu.memory_space<vmem>>)
    %iota3A = tpu.iota {dimensions = array<i32: 0>} : vector<16xi32>
    %broadcast_in_dim3A = arith.constant 0.000000e+00 : f32
    %broadcast_in_dim3A_10 = vector.broadcast %broadcast_in_dim3A : f32 to vector<16xf32>
    %get3A = arith.constant 0 : index
    %get3A_11 = tpu.vector_load %arg6[%get3A] {strides = array<i32>} : memref<6272xf32, #tpu.memory_space<vmem>>, vector<16xf32>,
    %get3A_12 = vector.shape_cast %get3A_11 : vector<16xf32> to vector<16xf32>
    %get3A_13 = arith.constant 0 : index
    %get3A_14 = tpu.vector_load %arg7[%get3A_13] {strides = array<i32>} : memref<6272xi32, #tpu.memory_space<vmem>>, vector<16xi32>,
    %get3A_15 = vector.shape_cast %get3A_14 : vector<16xi32> to vector<16xi32>
    %gt3A = arith.constant 0 : i32
    %gt3A_16 = vector.broadcast %gt3A : i32 to vector<16xi32>
    %gt3A_17 = arith.cmpi sgt, %get3A_15, %gt3A_16 : vector<16xi32>
    %add3A_18 = arith.constant 0 : i32
    %add3A_19 = arith.addi %multiple_of3A, %add3A_18 : i32
    %add3A_20 = vector.broadcast %add3A_19 : i32 to vector<16xi32>
    %add3A_21 = arith.addi %add3A_20, %iota3A : vector<16xi32>
    %ge3A = vector.broadcast %mul3A_0 : i32 to vector<16xi32>
    %ge3A_22 = arith.cmpi sge, %add3A_21, %ge3A : vector<16xi32>
    %and3A_23 = arith.andi %gt3A_17, %ge3A_22 : vector<16xi1>
    %lt3A = vector.broadcast %add3A_1 : i32 to vector<16xi32>
    %lt3A_24 = arith.cmpi slt, %add3A_21, %lt3A : vector<16xi32>
    %and3A_25 = arith.andi %and3A_23, %lt3A_24 : vector<16xi1>
    %sub3A_26 = arith.constant 1.200000e+01 : f32
    %sub3A_27 = vector.broadcast %sub3A_26 : f32 to vector<16xf32>
    %sub3A_28 = arith.subf %get3A_12, %sub3A_27 : vector<16xf32>
    %exp3A = math.exp %sub3A_28 : vector<16xf32>
    %jit3A = arith.constant 0.000000e+00 : f32
    %broadcast_in_dim3A_29 = vector.broadcast %jit3A : f32 to vector<16xf32>
    %select_n3A = arith.select %and3A_25, %exp3A, %broadcast_in_dim3A_29 : vector<16xi1>, vector<16xf32>
    %add3A_30 = arith.addf %broadcast_in_dim3A_10, %select_n3A : vector<16xf32>
    %get3A_31 = arith.constant 6208 : index
    %get3A_32 = tpu.vector_load %arg6[%get3A_31] {strides = array<i32>} : memref<6272xf32, #tpu.memory_space<vmem>>, vector<16xf32>,
    %get3A_33 = vector.shape_cast %get3A_32 : vector<16xf32> to vector<16xf32>
    %get3A_34 = arith.constant 6208 : index
    %get3A_35 = tpu.vector_load %arg7[%get3A_34] {strides = array<i32>} : memref<6272xi32, #tpu.memory_space<vmem>>, vector<16xi32>,
    %get3A_36 = vector.shape_cast %get3A_35 : vector<16xi32> to vector<16xi32>
    %gt3A_37 = arith.constant 0 : i32
    %gt3A_38 = vector.broadcast %gt3A_37 : i32 to vector<16xi32>
    %gt3A_39 = arith.cmpi sgt, %get3A_36, %gt3A_38 : vector<16xi32>
    %add3A_40 = arith.constant 6208 : i32
    %add3A_41 = arith.addi %multiple_of3A, %add3A_40 : i32
    %add3A_42 = vector.broadcast %add3A_41 : i32 to vector<16xi32>
    %add3A_43 = arith.addi %add3A_42, %iota3A : vector<16xi32>
    %ge3A_44 = vector.broadcast %mul3A_0 : i32 to vector<16xi32>
    %ge3A_45 = arith.cmpi sge, %add3A_43, %ge3A_44 : vector<16xi32>
    %and3A_46 = arith.andi %gt3A_39, %ge3A_45 : vector<16xi1>
    %lt3A_47 = vector.broadcast %add3A_1 : i32 to vector<16xi32>
    %lt3A_48 = arith.cmpi slt, %add3A_43, %lt3A_47 : vector<16xi32>
    %and3A_49 = arith.andi %and3A_46, %lt3A_48 : vector<16xi1>
    %sub3A_50 = arith.constant 1.200000e+01 : f32
    %sub3A_51 = vector.broadcast %sub3A_50 : f32 to vector<16xf32>
    %sub3A_52 = arith.subf %get3A_33, %sub3A_51 : vector<16xf32>
    %exp3A_53 = math.exp %sub3A_52 : vector<16xf32>
    %jit3A_54 = arith.constant 0.000000e+00 : f32
    %broadcast_in_dim3A_55 = vector.broadcast %jit3A_54 : f32 to vector<16xf32>
    %select_n3A_56 = arith.select %and3A_49, %exp3A_53, %broadcast_in_dim3A_55 : vector<16xi1>, vector<16xf32>
    %add3A_57 = arith.addf %add3A_30, %select_n3A_56 : vector<16xf32>
    %get3A_58 = arith.constant 16 : index
    %get3A_59 = tpu.vector_load %arg6[%get3A_58] {strides = array<i32>} : memref<6272xf32, #tpu.memory_space<vmem>>, vector<16xf32>,
    %get3A_60 = vector.shape_cast %get3A_59 : vector<16xf32> to vector<16xf32>
    %get3A_61 = arith.constant 16 : index
    %get3A_62 = tpu.vector_load %arg7[%get3A_61] {strides = array<i32>} : memref<6272xi32, #tpu.memory_space<vmem>>, vector<16xi32>,
    %get3A_63 = vector.shape_cast %get3A_62 : vector<16xi32> to vector<16xi32>
    %gt3A_64 = arith.constant 0 : i32
    %gt3A_65 = vector.broadcast %gt3A_64 : i32 to vector<16xi32>
    %gt3A_66 = arith.cmpi sgt, %get3A_63, %gt3A_65 : vector<16xi32>
    %add3A_67 = arith.constant 16 : i32
    %add3A_68 = arith.addi %multiple_of3A, %add3A_67 : i32
    %add3A_69 = vector.broadcast %add3A_68 : i32 to vector<16xi32>
    %add3A_70 = arith.addi %add3A_69, %iota3A : vector<16xi32>
    %ge3A_71 = vector.broadcast %mul3A_0 : i32 to vector<16xi32>
    %ge3A_72 = arith.cmpi sge, %add3A_70, %ge3A_71 : vector<16xi32>
    %and3A_73 = arith.andi %gt3A_66, %ge3A_72 : vector<16xi1>
    %lt3A_74 = vector.broadcast %add3A_1 : i32 to vector<16xi32>
    %lt3A_75 = arith.cmpi slt, %add3A_70, %lt3A_74 : vector<16xi32>
    %and3A_76 = arith.andi %and3A_73, %lt3A_75 : vector<16xi1>
    %sub3A_77 = arith.constant 1.200000e+01 : f32
    %sub3A_78 = vector.broadcast %sub3A_77 : f32 to vector<16xf32>
    %sub3A_79 = arith.subf %get3A_60, %sub3A_78 : vector<16xf32>
    %exp3A_80 = math.exp %sub3A_79 : vector<16xf32>
    %jit3A_81 = arith.constant 0.000000e+00 : f32
    %broadcast_in_dim3A_82 = vector.broadcast %jit3A_81 : f32 to vector<16xf32>
    %select_n3A_83 = arith.select %and3A_76, %exp3A_80, %broadcast_in_dim3A_82 : vector<16xi1>, vector<16xf32>
    %add3A_84 = arith.addf %add3A_57, %select_n3A_83 : vector<16xf32>
    %get3A_85 = arith.constant 6224 : index
    %get3A_86 = tpu.vector_load %arg6[%get3A_85] {strides = array<i32>} : memref<6272xf32, #tpu.memory_space<vmem>>, vector<16xf32>,
    %get3A_87 = vector.shape_cast %get3A_86 : vector<16xf32> to vector<16xf32>
    %get3A_88 = arith.constant 6224 : index
    %get3A_89 = tpu.vector_load %arg7[%get3A_88] {strides = array<i32>} : memref<6272xi32, #tpu.memory_space<vmem>>, vector<16xi32>,
    %get3A_90 = vector.shape_cast %get3A_89 : vector<16xi32> to vector<16xi32>
    %gt3A_91 = arith.constant 0 : i32
    %gt3A_92 = vector.broadcast %gt3A_91 : i32 to vector<16xi32>
    %gt3A_93 = arith.cmpi sgt, %get3A_90, %gt3A_92 : vector<16xi32>
    %add3A_94 = arith.constant 6224 : i32
    %add3A_95 = arith.addi %multiple_of3A, %add3A_94 : i32
    %add3A_96 = vector.broadcast %add3A_95 : i32 to vector<16xi32>
    %add3A_97 = arith.addi %add3A_96, %iota3A : vector<16xi32>
    %ge3A_98 = vector.broadcast %mul3A_0 : i32 to vector<16xi32>
    %ge3A_99 = arith.cmpi sge, %add3A_97, %ge3A_98 : vector<16xi32>
    %and3A_100 = arith.andi %gt3A_93, %ge3A_99 : vector<16xi1>
    %lt3A_101 = vector.broadcast %add3A_1 : i32 to vector<16xi32>
    %lt3A_102 = arith.cmpi slt, %add3A_97, %lt3A_101 : vector<16xi32>
    %and3A_103 = arith.andi %and3A_100, %lt3A_102 : vector<16xi1>
    %sub3A_104 = arith.constant 1.200000e+01 : f32
    %sub3A_105 = vector.broadcast %sub3A_104 : f32 to vector<16xf32>
    %sub3A_106 = arith.subf %get3A_87, %sub3A_105 : vector<16xf32>
    %exp3A_107 = math.exp %sub3A_106 : vector<16xf32>
    %jit3A_108 = arith.constant 0.000000e+00 : f32
    %broadcast_in_dim3A_109 = vector.broadcast %jit3A_108 : f32 to vector<16xf32>
    %select_n3A_110 = arith.select %and3A_103, %exp3A_107, %broadcast_in_dim3A_109 : vector<16xi1>, vector<16xf32>
    %add3A_111 = arith.addf %add3A_84, %select_n3A_110 : vector<16xf32>
    %get3A_112 = arith.constant 32 : index
    %get3A_113 = tpu.vector_load %arg6[%get3A_112] {strides = array<i32>} : memref<6272xf32, #tpu.memory_space<vmem>>, vector<16xf32>,
    %get3A_114 = vector.shape_cast %get3A_113 : vector<16xf32> to vector<16xf32>
    %get3A_115 = arith.constant 32 : index
    %get3A_116 = tpu.vector_load %arg7[%get3A_115] {strides = array<i32>} : memref<6272xi32, #tpu.memory_space<vmem>>, vector<16xi32>,
    %get3A_117 = vector.shape_cast %get3A_116 : vector<16xi32> to vector<16xi32>
    %gt3A_118 = arith.constant 0 : i32
    %gt3A_119 = vector.broadcast %gt3A_118 : i32 to vector<16xi32>
    %gt3A_120 = arith.cmpi sgt, %get3A_117, %gt3A_119 : vector<16xi32>
    %add3A_121 = arith.constant 32 : i32
    %add3A_122 = arith.addi %multiple_of3A, %add3A_121 : i32
    %add3A_123 = vector.broadcast %add3A_122 : i32 to vector<16xi32>
    %add3A_124 = arith.addi %add3A_123, %iota3A : vector<16xi32>
    %ge3A_125 = vector.broadcast %mul3A_0 : i32 to vector<16xi32>
    %ge3A_126 = arith.cmpi sge, %add3A_124, %ge3A_125 : vector<16xi32>
    %and3A_127 = arith.andi %gt3A_120, %ge3A_126 : vector<16xi1>
    %lt3A_128 = vector.broadcast %add3A_1 : i32 to vector<16xi32>
    %lt3A_129 = arith.cmpi slt, %add3A_124, %lt3A_128 : vector<16xi32>
    %and3A_130 = arith.andi %and3A_127, %lt3A_129 : vector<16xi1>
    %sub3A_131 = arith.constant 1.200000e+01 : f32
    %sub3A_132 = vector.broadcast %sub3A_131 : f32 to vector<16xf32>
    %sub3A_133 = arith.subf %get3A_114, %sub3A_132 : vector<16xf32>
    %exp3A_134 = math.exp %sub3A_133 : vector<16xf32>
    %jit3A_135 = arith.constant 0.000000e+00 : f32
    %broadcast_in_dim3A_136 = vector.broadcast %jit3A_135 : f32 to vector<16xf32>
    %select_n3A_137 = arith.select %and3A_130, %exp3A_134, %broadcast_in_dim3A_136 : vector<16xi1>, vector<16xf32>
    %add3A_138 = arith.addf %add3A_111, %select_n3A_137 : vector<16xf32>
    %get3A_139 = arith.constant 6240 : index
    %get3A_140 = tpu.vector_load %arg6[%get3A_139] {strides = array<i32>} : memref<6272xf32, #tpu.memory_space<vmem>>, vector<16xf32>,
    %get3A_141 = vector.shape_cast %get3A_140 : vector<16xf32> to vector<16xf32>
    %get3A_142 = arith.constant 6240 : index
    %get3A_143 = tpu.vector_load %arg7[%get3A_142] {strides = array<i32>} : memref<6272xi32, #tpu.memory_space<vmem>>, vector<16xi32>,
    %get3A_144 = vector.shape_cast %get3A_143 : vector<16xi32> to vector<16xi32>
    %gt3A_145 = arith.constant 0 : i32
    %gt3A_146 = vector.broadcast %gt3A_145 : i32 to vector<16xi32>
    %gt3A_147 = arith.cmpi sgt, %get3A_144, %gt3A_146 : vector<16xi32>
    %add3A_148 = arith.constant 6240 : i32
    %add3A_149 = arith.addi %multiple_of3A, %add3A_148 : i32
    %add3A_150 = vector.broadcast %add3A_149 : i32 to vector<16xi32>
    %add3A_151 = arith.addi %add3A_150, %iota3A : vector<16xi32>
    %ge3A_152 = vector.broadcast %mul3A_0 : i32 to vector<16xi32>
    %ge3A_153 = arith.cmpi sge, %add3A_151, %ge3A_152 : vector<16xi32>
    %and3A_154 = arith.andi %gt3A_147, %ge3A_153 : vector<16xi1>
    %lt3A_155 = vector.broadcast %add3A_1 : i32 to vector<16xi32>
    %lt3A_156 = arith.cmpi slt, %add3A_151, %lt3A_155 : vector<16xi32>
    %and3A_157 = arith.andi %and3A_154, %lt3A_156 : vector<16xi1>
    %sub3A_158 = arith.constant 1.200000e+01 : f32
    %sub3A_159 = vector.broadcast %sub3A_158 : f32 to vector<16xf32>
    %sub3A_160 = arith.subf %get3A_141, %sub3A_159 : vector<16xf32>
    %exp3A_161 = math.exp %sub3A_160 : vector<16xf32>
    %jit3A_162 = arith.constant 0.000000e+00 : f32
    %broadcast_in_dim3A_163 = vector.broadcast %jit3A_162 : f32 to vector<16xf32>
    %select_n3A_164 = arith.select %and3A_157, %exp3A_161, %broadcast_in_dim3A_163 : vector<16xi1>, vector<16xf32>
    %add3A_165 = arith.addf %add3A_138, %select_n3A_164 : vector<16xf32>
    %get3A_166 = arith.constant 48 : index
    %get3A_167 = tpu.vector_load %arg6[%get3A_166] {strides = array<i32>} : memref<6272xf32, #tpu.memory_space<vmem>>, vector<16xf32>,
    %get3A_168 = vector.shape_cast %get3A_167 : vector<16xf32> to vector<16xf32>
    %get3A_169 = arith.constant 48 : index
    %get3A_170 = tpu.vector_load %arg7[%get3A_169] {strides = array<i32>} : memref<6272xi32, #tpu.memory_space<vmem>>, vector<16xi32>,
    %get3A_171 = vector.shape_cast %get3A_170 : vector<16xi32> to vector<16xi32>
    %gt3A_172 = arith.constant 0 : i32
    %gt3A_173 = vector.broadcast %gt3A_172 : i32 to vector<16xi32>
    %gt3A_174 = arith.cmpi sgt, %get3A_171, %gt3A_173 : vector<16xi32>
    %add3A_175 = arith.constant 48 : i32
    %add3A_176 = arith.addi %multiple_of3A, %add3A_175 : i32
    %add3A_177 = vector.broadcast %add3A_176 : i32 to vector<16xi32>
    %add3A_178 = arith.addi %add3A_177, %iota3A : vector<16xi32>
    %ge3A_179 = vector.broadcast %mul3A_0 : i32 to vector<16xi32>
    %ge3A_180 = arith.cmpi sge, %add3A_178, %ge3A_179 : vector<16xi32>
    %and3A_181 = arith.andi %gt3A_174, %ge3A_180 : vector<16xi1>
    %lt3A_182 = vector.broadcast %add3A_1 : i32 to vector<16xi32>
    %lt3A_183 = arith.cmpi slt, %add3A_178, %lt3A_182 : vector<16xi32>
    %and3A_184 = arith.andi %and3A_181, %lt3A_183 : vector<16xi1>
    %sub3A_185 = arith.constant 1.200000e+01 : f32
    %sub3A_186 = vector.broadcast %sub3A_185 : f32 to vector<16xf32>
    %sub3A_187 = arith.subf %get3A_168, %sub3A_186 : vector<16xf32>
    %exp3A_188 = math.exp %sub3A_187 : vector<16xf32>
    %jit3A_189 = arith.constant 0.000000e+00 : f32
    %broadcast_in_dim3A_190 = vector.broadcast %jit3A_189 : f32 to vector<16xf32>
    %select_n3A_191 = arith.select %and3A_184, %exp3A_188, %broadcast_in_dim3A_190 : vector<16xi1>, vector<16xf32>
    %add3A_192 = arith.addf %add3A_165, %select_n3A_191 : vector<16xf32>
    %get3A_193 = arith.constant 6256 : index
    %get3A_194 = tpu.vector_load %arg6[%get3A_193] {strides = array<i32>} : memref<6272xf32, #tpu.memory_space<vmem>>, vector<16xf32>,
    %get3A_195 = vector.shape_cast %get3A_194 : vector<16xf32> to vector<16xf32>
    %get3A_196 = arith.constant 6256 : index
    %get3A_197 = tpu.vector_load %arg7[%get3A_196] {strides = array<i32>} : memref<6272xi32, #tpu.memory_space<vmem>>, vector<16xi32>,
    %get3A_198 = vector.shape_cast %get3A_197 : vector<16xi32> to vector<16xi32>
    %gt3A_199 = arith.constant 0 : i32
    %gt3A_200 = vector.broadcast %gt3A_199 : i32 to vector<16xi32>
    %gt3A_201 = arith.cmpi sgt, %get3A_198, %gt3A_200 : vector<16xi32>
    %add3A_202 = arith.constant 6256 : i32
    %add3A_203 = arith.addi %multiple_of3A, %add3A_202 : i32
    %add3A_204 = vector.broadcast %add3A_203 : i32 to vector<16xi32>
    %add3A_205 = arith.addi %add3A_204, %iota3A : vector<16xi32>
    %ge3A_206 = vector.broadcast %mul3A_0 : i32 to vector<16xi32>
    %ge3A_207 = arith.cmpi sge, %add3A_205, %ge3A_206 : vector<16xi32>
    %and3A_208 = arith.andi %gt3A_201, %ge3A_207 : vector<16xi1>
    %lt3A_209 = vector.broadcast %add3A_1 : i32 to vector<16xi32>
    %lt3A_210 = arith.cmpi slt, %add3A_205, %lt3A_209 : vector<16xi32>
    %and3A_211 = arith.andi %and3A_208, %lt3A_210 : vector<16xi1>
    %sub3A_212 = arith.constant 1.200000e+01 : f32
    %sub3A_213 = vector.broadcast %sub3A_212 : f32 to vector<16xf32>
    %sub3A_214 = arith.subf %get3A_195, %sub3A_213 : vector<16xf32>
    %exp3A_215 = math.exp %sub3A_214 : vector<16xf32>
    %jit3A_216 = arith.constant 0.000000e+00 : f32
    %broadcast_in_dim3A_217 = vector.broadcast %jit3A_216 : f32 to vector<16xf32>
    %select_n3A_218 = arith.select %and3A_211, %exp3A_215, %broadcast_in_dim3A_217 : vector<16xi1>, vector<16xf32>
    %add3A_219 = arith.addf %add3A_192, %select_n3A_218 : vector<16xf32>
    %parallel_loop3A = arith.constant 1 : i32
    %parallel_loop3A_220 = arith.constant 97 : i32
    %parallel_loop3A_221 = arith.constant 1 : i32
    %parallel_loop3A_222:4 = scf.for %parallel_loop3A_377 = %parallel_loop3A to %parallel_loop3A_220 step %parallel_loop3A_221 iter_args(%parallel_loop3A_378 = %broadcast_in_dim3A_10, %parallel_loop3A_379 = %broadcast_in_dim3A_10, %parallel_loop3A_380 = %broadcast_in_dim3A_10, %parallel_loop3A_381 = %broadcast_in_dim3A_10) -> (vector<16xf32>, vector<16xf32>, vector<16xf32>, vector<16xf32>)  : i32 {
      %parallel_loop3A_382 = arith.constant 64 : i32
      %parallel_loop3A_383 = arith.muli %parallel_loop3A_377, %parallel_loop3A_382 : i32
      %parallel_loop3A_384 = arith.constant 0 : i32
      %parallel_loop3A_385 = arith.addi %parallel_loop3A_383, %parallel_loop3A_384 : i32
      %parallel_loop3A_386 = arith.index_cast %parallel_loop3A_385 : i32 to index
      %parallel_loop3A_387 = tpu.vector_load %arg6[%parallel_loop3A_386] {strides = array<i32>} : memref<6272xf32, #tpu.memory_space<vmem>>, vector<16xf32>,
      %parallel_loop3A_388 = vector.shape_cast %parallel_loop3A_387 : vector<16xf32> to vector<16xf32>
      %parallel_loop3A_389 = arith.index_cast %parallel_loop3A_385 : i32 to index
      %parallel_loop3A_390 = tpu.vector_load %arg7[%parallel_loop3A_389] {strides = array<i32>} : memref<6272xi32, #tpu.memory_space<vmem>>, vector<16xi32>,
      %parallel_loop3A_391 = vector.shape_cast %parallel_loop3A_390 : vector<16xi32> to vector<16xi32>
      %parallel_loop3A_392 = arith.constant 0 : i32
      %parallel_loop3A_393 = vector.broadcast %parallel_loop3A_392 : i32 to vector<16xi32>
      %parallel_loop3A_394 = arith.cmpi sgt, %parallel_loop3A_391, %parallel_loop3A_393 : vector<16xi32>
      %parallel_loop3A_395 = arith.constant 1.200000e+01 : f32
      %parallel_loop3A_396 = vector.broadcast %parallel_loop3A_395 : f32 to vector<16xf32>
      %parallel_loop3A_397 = arith.subf %parallel_loop3A_388, %parallel_loop3A_396 : vector<16xf32>
      %parallel_loop3A_398 = math.exp %parallel_loop3A_397 : vector<16xf32>
      %parallel_loop3A_399 = arith.constant 0.000000e+00 : f32
      %parallel_loop3A_400 = vector.broadcast %parallel_loop3A_399 : f32 to vector<16xf32>
      %parallel_loop3A_401 = arith.select %parallel_loop3A_394, %parallel_loop3A_398, %parallel_loop3A_400 : vector<16xi1>, vector<16xf32>
      %parallel_loop3A_402 = arith.addf %parallel_loop3A_378, %parallel_loop3A_401 : vector<16xf32>
      %parallel_loop3A_403 = arith.constant 16 : i32
      %parallel_loop3A_404 = arith.addi %parallel_loop3A_383, %parallel_loop3A_403 : i32
      %parallel_loop3A_405 = arith.index_cast %parallel_loop3A_404 : i32 to index
      %parallel_loop3A_406 = tpu.vector_load %arg6[%parallel_loop3A_405] {strides = array<i32>} : memref<6272xf32, #tpu.memory_space<vmem>>, vector<16xf32>,
      %parallel_loop3A_407 = vector.shape_cast %parallel_loop3A_406 : vector<16xf32> to vector<16xf32>
      %parallel_loop3A_408 = arith.index_cast %parallel_loop3A_404 : i32 to index
      %parallel_loop3A_409 = tpu.vector_load %arg7[%parallel_loop3A_408] {strides = array<i32>} : memref<6272xi32, #tpu.memory_space<vmem>>, vector<16xi32>,
      %parallel_loop3A_410 = vector.shape_cast %parallel_loop3A_409 : vector<16xi32> to vector<16xi32>
      %parallel_loop3A_411 = arith.constant 0 : i32
      %parallel_loop3A_412 = vector.broadcast %parallel_loop3A_411 : i32 to vector<16xi32>
      %parallel_loop3A_413 = arith.cmpi sgt, %parallel_loop3A_410, %parallel_loop3A_412 : vector<16xi32>
      %parallel_loop3A_414 = arith.constant 1.200000e+01 : f32
      %parallel_loop3A_415 = vector.broadcast %parallel_loop3A_414 : f32 to vector<16xf32>
      %parallel_loop3A_416 = arith.subf %parallel_loop3A_407, %parallel_loop3A_415 : vector<16xf32>
      %parallel_loop3A_417 = math.exp %parallel_loop3A_416 : vector<16xf32>
      %parallel_loop3A_418 = arith.constant 0.000000e+00 : f32
      %parallel_loop3A_419 = vector.broadcast %parallel_loop3A_418 : f32 to vector<16xf32>
      %parallel_loop3A_420 = arith.select %parallel_loop3A_413, %parallel_loop3A_417, %parallel_loop3A_419 : vector<16xi1>, vector<16xf32>
      %parallel_loop3A_421 = arith.addf %parallel_loop3A_379, %parallel_loop3A_420 : vector<16xf32>
      %parallel_loop3A_422 = arith.constant 32 : i32
      %parallel_loop3A_423 = arith.addi %parallel_loop3A_383, %parallel_loop3A_422 : i32
      %parallel_loop3A_424 = arith.index_cast %parallel_loop3A_423 : i32 to index
      %parallel_loop3A_425 = tpu.vector_load %arg6[%parallel_loop3A_424] {strides = array<i32>} : memref<6272xf32, #tpu.memory_space<vmem>>, vector<16xf32>,
      %parallel_loop3A_426 = vector.shape_cast %parallel_loop3A_425 : vector<16xf32> to vector<16xf32>
      %parallel_loop3A_427 = arith.index_cast %parallel_loop3A_423 : i32 to index
      %parallel_loop3A_428 = tpu.vector_load %arg7[%parallel_loop3A_427] {strides = array<i32>} : memref<6272xi32, #tpu.memory_space<vmem>>, vector<16xi32>,
      %parallel_loop3A_429 = vector.shape_cast %parallel_loop3A_428 : vector<16xi32> to vector<16xi32>
      %parallel_loop3A_430 = arith.constant 0 : i32
      %parallel_loop3A_431 = vector.broadcast %parallel_loop3A_430 : i32 to vector<16xi32>
      %parallel_loop3A_432 = arith.cmpi sgt, %parallel_loop3A_429, %parallel_loop3A_431 : vector<16xi32>
      %parallel_loop3A_433 = arith.constant 1.200000e+01 : f32
      %parallel_loop3A_434 = vector.broadcast %parallel_loop3A_433 : f32 to vector<16xf32>
      %parallel_loop3A_435 = arith.subf %parallel_loop3A_426, %parallel_loop3A_434 : vector<16xf32>
      %parallel_loop3A_436 = math.exp %parallel_loop3A_435 : vector<16xf32>
      %parallel_loop3A_437 = arith.constant 0.000000e+00 : f32
      %parallel_loop3A_438 = vector.broadcast %parallel_loop3A_437 : f32 to vector<16xf32>
      %parallel_loop3A_439 = arith.select %parallel_loop3A_432, %parallel_loop3A_436, %parallel_loop3A_438 : vector<16xi1>, vector<16xf32>
      %parallel_loop3A_440 = arith.addf %parallel_loop3A_380, %parallel_loop3A_439 : vector<16xf32>
      %parallel_loop3A_441 = arith.constant 48 : i32
      %parallel_loop3A_442 = arith.addi %parallel_loop3A_383, %parallel_loop3A_441 : i32
      %parallel_loop3A_443 = arith.index_cast %parallel_loop3A_442 : i32 to index
      %parallel_loop3A_444 = tpu.vector_load %arg6[%parallel_loop3A_443] {strides = array<i32>} : memref<6272xf32, #tpu.memory_space<vmem>>, vector<16xf32>,
      %parallel_loop3A_445 = vector.shape_cast %parallel_loop3A_444 : vector<16xf32> to vector<16xf32>
      %parallel_loop3A_446 = arith.index_cast %parallel_loop3A_442 : i32 to index
      %parallel_loop3A_447 = tpu.vector_load %arg7[%parallel_loop3A_446] {strides = array<i32>} : memref<6272xi32, #tpu.memory_space<vmem>>, vector<16xi32>,
      %parallel_loop3A_448 = vector.shape_cast %parallel_loop3A_447 : vector<16xi32> to vector<16xi32>
      %parallel_loop3A_449 = arith.constant 0 : i32
      %parallel_loop3A_450 = vector.broadcast %parallel_loop3A_449 : i32 to vector<16xi32>
      %parallel_loop3A_451 = arith.cmpi sgt, %parallel_loop3A_448, %parallel_loop3A_450 : vector<16xi32>
      %parallel_loop3A_452 = arith.constant 1.200000e+01 : f32
      %parallel_loop3A_453 = vector.broadcast %parallel_loop3A_452 : f32 to vector<16xf32>
      %parallel_loop3A_454 = arith.subf %parallel_loop3A_445, %parallel_loop3A_453 : vector<16xf32>
      %parallel_loop3A_455 = math.exp %parallel_loop3A_454 : vector<16xf32>
      %parallel_loop3A_456 = arith.constant 0.000000e+00 : f32
      %parallel_loop3A_457 = vector.broadcast %parallel_loop3A_456 : f32 to vector<16xf32>
      %parallel_loop3A_458 = arith.select %parallel_loop3A_451, %parallel_loop3A_455, %parallel_loop3A_457 : vector<16xi1>, vector<16xf32>
      %parallel_loop3A_459 = arith.addf %parallel_loop3A_381, %parallel_loop3A_458 : vector<16xf32>
      scf.yield %parallel_loop3A_402, %parallel_loop3A_421, %parallel_loop3A_440, %parallel_loop3A_459 : vector<16xf32>, vector<16xf32>, vector<16xf32>, vector<16xf32>
    } {sc.loop_unroll_factor = 8 : i64, sc.parallel_access}
    %add3A_223 = arith.addf %parallel_loop3A_222#0, %parallel_loop3A_222#1 : vector<16xf32>
    %add3A_224 = arith.addf %parallel_loop3A_222#2, %parallel_loop3A_222#3 : vector<16xf32>
    %add3A_225 = arith.addf %add3A_223, %add3A_224 : vector<16xf32>
    %add3A_226 = arith.addf %add3A_225, %add3A_219 : vector<16xf32>
    %iota3A_227 = tpu.iota {dimensions = array<i32: 0>} : vector<16xi32>
    %xor3A = arith.constant 8 : i32
    %xor3A_228 = vector.broadcast %xor3A : i32 to vector<16xi32>
    %xor3A_229 = arith.xori %iota3A_227, %xor3A_228 : vector<16xi32>
    %lt3A_230 = arith.constant 0 : i32
    %lt3A_231 = vector.broadcast %lt3A_230 : i32 to vector<16xi32>
    %lt3A_232 = arith.cmpi slt, %xor3A_229, %lt3A_231 : vector<16xi32>
    %add3A_233 = arith.constant 16 : i32
    %add3A_234 = vector.broadcast %add3A_233 : i32 to vector<16xi32>
    %add3A_235 = arith.addi %xor3A_229, %add3A_234 : vector<16xi32>
    %select_n3A_236 = arith.select %lt3A_232, %add3A_235, %xor3A_229 : vector<16xi1>, vector<16xi32>
    %broadcast_in_dim3A_237 = vector.shape_cast %select_n3A_236 : vector<16xi32> to vector<16x1xi32>
    %gather3A = vector.shape_cast %broadcast_in_dim3A_237 : vector<16x1xi32> to vector<16xi32>
    %gather3A_238 = tpu.dynamic_gather %add3A_226[%gather3A] in [0] : vector<16xf32>, vector<16xi32> -> vector<16xf32>
    %add3A_239 = arith.addf %add3A_226, %gather3A_238 : vector<16xf32>
    %xor3A_240 = arith.constant 4 : i32
    %xor3A_241 = vector.broadcast %xor3A_240 : i32 to vector<16xi32>
    %xor3A_242 = arith.xori %iota3A_227, %xor3A_241 : vector<16xi32>
    %lt3A_243 = arith.constant 0 : i32
    %lt3A_244 = vector.broadcast %lt3A_243 : i32 to vector<16xi32>
    %lt3A_245 = arith.cmpi slt, %xor3A_242, %lt3A_244 : vector<16xi32>
    %add3A_246 = arith.constant 16 : i32
    %add3A_247 = vector.broadcast %add3A_246 : i32 to vector<16xi32>
    %add3A_248 = arith.addi %xor3A_242, %add3A_247 : vector<16xi32>
    %select_n3A_249 = arith.select %lt3A_245, %add3A_248, %xor3A_242 : vector<16xi1>, vector<16xi32>
    %broadcast_in_dim3A_250 = vector.shape_cast %select_n3A_249 : vector<16xi32> to vector<16x1xi32>
    %gather3A_251 = vector.shape_cast %broadcast_in_dim3A_250 : vector<16x1xi32> to vector<16xi32>
    %gather3A_252 = tpu.dynamic_gather %add3A_239[%gather3A_251] in [0] : vector<16xf32>, vector<16xi32> -> vector<16xf32>
    %add3A_253 = arith.addf %add3A_239, %gather3A_252 : vector<16xf32>
    %xor3A_254 = arith.constant 2 : i32
    %xor3A_255 = vector.broadcast %xor3A_254 : i32 to vector<16xi32>
    %xor3A_256 = arith.xori %iota3A_227, %xor3A_255 : vector<16xi32>
    %lt3A_257 = arith.constant 0 : i32
    %lt3A_258 = vector.broadcast %lt3A_257 : i32 to vector<16xi32>
    %lt3A_259 = arith.cmpi slt, %xor3A_256, %lt3A_258 : vector<16xi32>
    %add3A_260 = arith.constant 16 : i32
    %add3A_261 = vector.broadcast %add3A_260 : i32 to vector<16xi32>
    %add3A_262 = arith.addi %xor3A_256, %add3A_261 : vector<16xi32>
    %select_n3A_263 = arith.select %lt3A_259, %add3A_262, %xor3A_256 : vector<16xi1>, vector<16xi32>
    %broadcast_in_dim3A_264 = vector.shape_cast %select_n3A_263 : vector<16xi32> to vector<16x1xi32>
    %gather3A_265 = vector.shape_cast %broadcast_in_dim3A_264 : vector<16x1xi32> to vector<16xi32>
    %gather3A_266 = tpu.dynamic_gather %add3A_253[%gather3A_265] in [0] : vector<16xf32>, vector<16xi32> -> vector<16xf32>
    %add3A_267 = arith.addf %add3A_253, %gather3A_266 : vector<16xf32>
    %xor3A_268 = arith.constant 1 : i32
    %xor3A_269 = vector.broadcast %xor3A_268 : i32 to vector<16xi32>
    %xor3A_270 = arith.xori %iota3A_227, %xor3A_269 : vector<16xi32>
    %lt3A_271 = arith.constant 0 : i32
    %lt3A_272 = vector.broadcast %lt3A_271 : i32 to vector<16xi32>
    %lt3A_273 = arith.cmpi slt, %xor3A_270, %lt3A_272 : vector<16xi32>
    %add3A_274 = arith.constant 16 : i32
    %add3A_275 = vector.broadcast %add3A_274 : i32 to vector<16xi32>
    %add3A_276 = arith.addi %xor3A_270, %add3A_275 : vector<16xi32>
    %select_n3A_277 = arith.select %lt3A_273, %add3A_276, %xor3A_270 : vector<16xi1>, vector<16xi32>
    %broadcast_in_dim3A_278 = vector.shape_cast %select_n3A_277 : vector<16xi32> to vector<16x1xi32>
    %gather3A_279 = vector.shape_cast %broadcast_in_dim3A_278 : vector<16x1xi32> to vector<16xi32>
    %gather3A_280 = tpu.dynamic_gather %add3A_267[%gather3A_279] in [0] : vector<16xf32>, vector<16xi32> -> vector<16xf32>
    %add3A_281 = arith.addf %add3A_267, %gather3A_280 : vector<16xf32>
    tpu.wait_dma2 semaphore(%arg15 : memref<!tpu.dma_semaphore, #tpu.memory_space<semaphore_mem>>) src(%arg4 : memref<16xi32, #tpu.memory_space<hbm>>) dst(%arg8 : memref<16xi32, #tpu.memory_space<vmem>>)
    %get3A_282 = arith.constant 0 : index
    %get3A_283 = tpu.vector_load %arg8[%get3A_282] {strides = array<i32>} : memref<16xi32, #tpu.memory_space<vmem>>, vector<16xi32>,
    %get3A_284 = vector.shape_cast %get3A_283 : vector<16xi32> to vector<16xi32>
    %slice3A = vector.extract_strided_slice %get3A_284 {offsets = [0], sizes = [1], strides = [1]} : vector<16xi32> to vector<1xi32>
    %squeeze3A = vector.extract %slice3A[0] : i32 from vector<1xi32>
    %sub3A_285 = arith.subi %squeeze3A, %multiple_of3A : i32
    %and3A_286 = arith.constant 15 : i32
    %and3A_287 = arith.andi %sub3A_285, %and3A_286 : i32
    %sub3A_288 = arith.subi %sub3A_285, %and3A_287 : i32
    %jit3A_289 = arith.constant 0 : i32
    %jit3A_290 = arith.constant 6256 : i32
    %max3A = arith.maxsi %jit3A_289, %sub3A_288 : i32
    %min3A_291 = arith.minsi %jit3A_290, %max3A : i32
    %get3A_292 = arith.index_cast %min3A_291 : i32 to index
    %get3A_293 = tpu.vector_load %arg6[%get3A_292] {strides = array<i32>} : memref<6272xf32, #tpu.memory_space<vmem>>, vector<16xf32>,
    %get3A_294 = vector.shape_cast %get3A_293 : vector<16xf32> to vector<16xf32>
    %ge3A_295 = vector.broadcast %mul3A_0 : i32 to vector<16xi32>
    %ge3A_296 = arith.cmpi sge, %get3A_284, %ge3A_295 : vector<16xi32>
    %lt3A_297 = vector.broadcast %add3A_1 : i32 to vector<16xi32>
    %lt3A_298 = arith.cmpi slt, %get3A_284, %lt3A_297 : vector<16xi32>
    %and3A_299 = arith.andi %ge3A_296, %lt3A_298 : vector<16xi1>
    %sub3A_300 = arith.subi %sub3A_285, %min3A_291 : i32
    %eq3A = vector.broadcast %sub3A_300 : i32 to vector<16xi32>
    %eq3A_301 = arith.cmpi eq, %iota3A, %eq3A : vector<16xi32>
    %and3A_302 = arith.andi %eq3A_301, %and3A_299 : vector<16xi1>
    %jit3A_303 = arith.constant 0.000000e+00 : f32
    %broadcast_in_dim3A_304 = vector.broadcast %jit3A_303 : f32 to vector<16xf32>
    %select_n3A_305 = arith.select %and3A_302, %get3A_294, %broadcast_in_dim3A_304 : vector<16xi1>, vector<16xf32>
    %iota3A_306 = tpu.iota {dimensions = array<i32: 0>} : vector<16xi32>
    %xor3A_307 = arith.constant 8 : i32
    %xor3A_308 = vector.broadcast %xor3A_307 : i32 to vector<16xi32>
    %xor3A_309 = arith.xori %iota3A_306, %xor3A_308 : vector<16xi32>
    %lt3A_310 = arith.constant 0 : i32
    %lt3A_311 = vector.broadcast %lt3A_310 : i32 to vector<16xi32>
    %lt3A_312 = arith.cmpi slt, %xor3A_309, %lt3A_311 : vector<16xi32>
    %add3A_313 = arith.constant 16 : i32
    %add3A_314 = vector.broadcast %add3A_313 : i32 to vector<16xi32>
    %add3A_315 = arith.addi %xor3A_309, %add3A_314 : vector<16xi32>
    %select_n3A_316 = arith.select %lt3A_312, %add3A_315, %xor3A_309 : vector<16xi1>, vector<16xi32>
    %broadcast_in_dim3A_317 = vector.shape_cast %select_n3A_316 : vector<16xi32> to vector<16x1xi32>
    %gather3A_318 = vector.shape_cast %broadcast_in_dim3A_317 : vector<16x1xi32> to vector<16xi32>
    %gather3A_319 = tpu.dynamic_gather %select_n3A_305[%gather3A_318] in [0] : vector<16xf32>, vector<16xi32> -> vector<16xf32>
    %add3A_320 = arith.addf %select_n3A_305, %gather3A_319 : vector<16xf32>
    %xor3A_321 = arith.constant 4 : i32
    %xor3A_322 = vector.broadcast %xor3A_321 : i32 to vector<16xi32>
    %xor3A_323 = arith.xori %iota3A_306, %xor3A_322 : vector<16xi32>
    %lt3A_324 = arith.constant 0 : i32
    %lt3A_325 = vector.broadcast %lt3A_324 : i32 to vector<16xi32>
    %lt3A_326 = arith.cmpi slt, %xor3A_323, %lt3A_325 : vector<16xi32>
    %add3A_327 = arith.constant 16 : i32
    %add3A_328 = vector.broadcast %add3A_327 : i32 to vector<16xi32>
    %add3A_329 = arith.addi %xor3A_323, %add3A_328 : vector<16xi32>
    %select_n3A_330 = arith.select %lt3A_326, %add3A_329, %xor3A_323 : vector<16xi1>, vector<16xi32>
    %broadcast_in_dim3A_331 = vector.shape_cast %select_n3A_330 : vector<16xi32> to vector<16x1xi32>
    %gather3A_332 = vector.shape_cast %broadcast_in_dim3A_331 : vector<16x1xi32> to vector<16xi32>
    %gather3A_333 = tpu.dynamic_gather %add3A_320[%gather3A_332] in [0] : vector<16xf32>, vector<16xi32> -> vector<16xf32>
    %add3A_334 = arith.addf %add3A_320, %gather3A_333 : vector<16xf32>
    %xor3A_335 = arith.constant 2 : i32
    %xor3A_336 = vector.broadcast %xor3A_335 : i32 to vector<16xi32>
    %xor3A_337 = arith.xori %iota3A_306, %xor3A_336 : vector<16xi32>
    %lt3A_338 = arith.constant 0 : i32
    %lt3A_339 = vector.broadcast %lt3A_338 : i32 to vector<16xi32>
    %lt3A_340 = arith.cmpi slt, %xor3A_337, %lt3A_339 : vector<16xi32>
    %add3A_341 = arith.constant 16 : i32
    %add3A_342 = vector.broadcast %add3A_341 : i32 to vector<16xi32>
    %add3A_343 = arith.addi %xor3A_337, %add3A_342 : vector<16xi32>
    %select_n3A_344 = arith.select %lt3A_340, %add3A_343, %xor3A_337 : vector<16xi1>, vector<16xi32>
    %broadcast_in_dim3A_345 = vector.shape_cast %select_n3A_344 : vector<16xi32> to vector<16x1xi32>
    %gather3A_346 = vector.shape_cast %broadcast_in_dim3A_345 : vector<16x1xi32> to vector<16xi32>
    %gather3A_347 = tpu.dynamic_gather %add3A_334[%gather3A_346] in [0] : vector<16xf32>, vector<16xi32> -> vector<16xf32>
    %add3A_348 = arith.addf %add3A_334, %gather3A_347 : vector<16xf32>
    %xor3A_349 = arith.constant 1 : i32
    %xor3A_350 = vector.broadcast %xor3A_349 : i32 to vector<16xi32>
    %xor3A_351 = arith.xori %iota3A_306, %xor3A_350 : vector<16xi32>
    %lt3A_352 = arith.constant 0 : i32
    %lt3A_353 = vector.broadcast %lt3A_352 : i32 to vector<16xi32>
    %lt3A_354 = arith.cmpi slt, %xor3A_351, %lt3A_353 : vector<16xi32>
    %add3A_355 = arith.constant 16 : i32
    %add3A_356 = vector.broadcast %add3A_355 : i32 to vector<16xi32>
    %add3A_357 = arith.addi %xor3A_351, %add3A_356 : vector<16xi32>
    %select_n3A_358 = arith.select %lt3A_354, %add3A_357, %xor3A_351 : vector<16xi1>, vector<16xi32>
    %broadcast_in_dim3A_359 = vector.shape_cast %select_n3A_358 : vector<16xi32> to vector<16x1xi32>
    %gather3A_360 = vector.shape_cast %broadcast_in_dim3A_359 : vector<16x1xi32> to vector<16xi32>
    %gather3A_361 = tpu.dynamic_gather %add3A_348[%gather3A_360] in [0] : vector<16xf32>, vector<16xi32> -> vector<16xf32>
    %add3A_362 = arith.addf %add3A_348, %gather3A_361 : vector<16xf32>
    %swap3A = arith.constant 0 : index
    %swap3A_363 = tpu.vector_load %arg9[%swap3A] {strides = array<i32>} : memref<32xf32, #tpu.memory_space<vmem>>, vector<16xf32>,
    %swap3A_364 = vector.shape_cast %swap3A_363 : vector<16xf32> to vector<16xf32>
    %swap3A_365 = vector.shape_cast %add3A_281 : vector<16xf32> to vector<16xf32>
    tpu.vector_store %arg9[%swap3A], %swap3A_365 {strides = array<i32>} : memref<32xf32, #tpu.memory_space<vmem>>, vector<16xf32>,
    %swap3A_366 = arith.constant 16 : index
    %swap3A_367 = tpu.vector_load %arg9[%swap3A_366] {strides = array<i32>} : memref<32xf32, #tpu.memory_space<vmem>>, vector<16xf32>,
    %swap3A_368 = vector.shape_cast %swap3A_367 : vector<16xf32> to vector<16xf32>
    %swap3A_369 = vector.shape_cast %add3A_362 : vector<16xf32> to vector<16xf32>
    tpu.vector_store %arg9[%swap3A_366], %swap3A_369 {strides = array<i32>} : memref<32xf32, #tpu.memory_space<vmem>>, vector<16xf32>,
    %mul3A_370 = arith.constant 2 : i32
    %mul3A_371 = arith.muli %arg1, %mul3A_370 : i32
    %mul3A_372 = arith.constant 16 : i32
    %mul3A_373 = arith.muli %mul3A_371, %mul3A_372 : i32
    "tpu.region"() ({
      %run_scoped3A = tpu.sem_alloc : memref<!tpu.dma_semaphore, #tpu.memory_space<semaphore_mem>>
      %dma_start3A_377 = tpu.memref_slice %arg12[%mul3A_373] : memref<512xf32, #tpu.memory_space<vmem_shared>> -> memref<32xf32, #tpu.memory_space<vmem_shared>>
      %dma_start3A_378 = tpu.memref_slice %arg12[%mul3A_373] : memref<512xf32, #tpu.memory_space<vmem_shared>> -> memref<32xf32, #tpu.memory_space<vmem_shared>>
      tpu.enqueue_dma source(%arg9 : memref<32xf32, #tpu.memory_space<vmem>>) target(%dma_start3A_378 : memref<32xf32, #tpu.memory_space<vmem_shared>>) target_semaphore(%run_scoped3A : memref<!tpu.dma_semaphore, #tpu.memory_space<semaphore_mem>>)
      %dma_wait3A_379 = tpu.memref_slice %arg12[%mul3A_373] : memref<512xf32, #tpu.memory_space<vmem_shared>> -> memref<32xf32, #tpu.memory_space<vmem_shared>>
      %dma_wait3A_380 = tpu.memref_slice %arg12[%mul3A_373] : memref<512xf32, #tpu.memory_space<vmem_shared>> -> memref<32xf32, #tpu.memory_space<vmem_shared>>
      tpu.wait_dma2 semaphore(%run_scoped3A : memref<!tpu.dma_semaphore, #tpu.memory_space<semaphore_mem>>) src(%arg9 : memref<32xf32, #tpu.memory_space<vmem>>) dst(%dma_wait3A_380 : memref<32xf32, #tpu.memory_space<vmem_shared>>)
      tpu.yield
    }) : () -> ()
    %barrier3A = arith.constant 0 : index
    tpu.barrier barrier_id(%barrier3A)
    %eq3A_374 = arith.constant 0 : i32
    %eq3A_375 = arith.cmpi eq, %arg1, %eq3A_374 : i32
    %convert_element_type3A = arith.extui %eq3A_375 : i1 to i32
    %cond3A = arith.constant 0 : i32
    %cond3A_376 = arith.cmpi ne, %convert_element_type3A, %cond3A : i32
    scf.if %cond3A_376 {
      "tpu.region"() ({
        %run_scoped3A = tpu.sem_alloc : memref<!tpu.dma_semaphore, #tpu.memory_space<semaphore_mem>>
        tpu.enqueue_dma source(%arg12 : memref<512xf32, #tpu.memory_space<vmem_shared>>) target(%arg11 : memref<512xf32, #tpu.memory_space<vmem>>) target_semaphore(%run_scoped3A : memref<!tpu.dma_semaphore, #tpu.memory_space<semaphore_mem>>)
        tpu.wait_dma2 semaphore(%run_scoped3A : memref<!tpu.dma_semaphore, #tpu.memory_space<semaphore_mem>>) src(%arg12 : memref<512xf32, #tpu.memory_space<vmem_shared>>) dst(%arg11 : memref<512xf32, #tpu.memory_space<vmem>>)
        tpu.yield
      }) : () -> ()
      %get3A_377 = arith.constant 0 : index
      %get3A_378 = tpu.vector_load %arg11[%get3A_377] {strides = array<i32>} : memref<512xf32, #tpu.memory_space<vmem>>, vector<16xf32>,
      %get3A_379 = vector.shape_cast %get3A_378 : vector<16xf32> to vector<16xf32>
      %get3A_380 = arith.constant 16 : index
      %get3A_381 = tpu.vector_load %arg11[%get3A_380] {strides = array<i32>} : memref<512xf32, #tpu.memory_space<vmem>>, vector<16xf32>,
      %get3A_382 = vector.shape_cast %get3A_381 : vector<16xf32> to vector<16xf32>
      %get3A_383 = arith.constant 32 : index
      %get3A_384 = tpu.vector_load %arg11[%get3A_383] {strides = array<i32>} : memref<512xf32, #tpu.memory_space<vmem>>, vector<16xf32>,
      %get3A_385 = vector.shape_cast %get3A_384 : vector<16xf32> to vector<16xf32>
      %add3A_386 = arith.addf %get3A_379, %get3A_385 : vector<16xf32>
      %get3A_387 = arith.constant 48 : index
      %get3A_388 = tpu.vector_load %arg11[%get3A_387] {strides = array<i32>} : memref<512xf32, #tpu.memory_space<vmem>>, vector<16xf32>,
      %get3A_389 = vector.shape_cast %get3A_388 : vector<16xf32> to vector<16xf32>
      %add3A_390 = arith.addf %get3A_382, %get3A_389 : vector<16xf32>
      %get3A_391 = arith.constant 64 : index
      %get3A_392 = tpu.vector_load %arg11[%get3A_391] {strides = array<i32>} : memref<512xf32, #tpu.memory_space<vmem>>, vector<16xf32>,
      %get3A_393 = vector.shape_cast %get3A_392 : vector<16xf32> to vector<16xf32>
      %add3A_394 = arith.addf %add3A_386, %get3A_393 : vector<16xf32>
      %get3A_395 = arith.constant 80 : index
      %get3A_396 = tpu.vector_load %arg11[%get3A_395] {strides = array<i32>} : memref<512xf32, #tpu.memory_space<vmem>>, vector<16xf32>,
      %get3A_397 = vector.shape_cast %get3A_396 : vector<16xf32> to vector<16xf32>
      %add3A_398 = arith.addf %add3A_390, %get3A_397 : vector<16xf32>
      %get3A_399 = arith.constant 96 : index
      %get3A_400 = tpu.vector_load %arg11[%get3A_399] {strides = array<i32>} : memref<512xf32, #tpu.memory_space<vmem>>, vector<16xf32>,
      %get3A_401 = vector.shape_cast %get3A_400 : vector<16xf32> to vector<16xf32>
      %add3A_402 = arith.addf %add3A_394, %get3A_401 : vector<16xf32>
      %get3A_403 = arith.constant 112 : index
      %get3A_404 = tpu.vector_load %arg11[%get3A_403] {strides = array<i32>} : memref<512xf32, #tpu.memory_space<vmem>>, vector<16xf32>,
      %get3A_405 = vector.shape_cast %get3A_404 : vector<16xf32> to vector<16xf32>
      %add3A_406 = arith.addf %add3A_398, %get3A_405 : vector<16xf32>
      %get3A_407 = arith.constant 128 : index
      %get3A_408 = tpu.vector_load %arg11[%get3A_407] {strides = array<i32>} : memref<512xf32, #tpu.memory_space<vmem>>, vector<16xf32>,
      %get3A_409 = vector.shape_cast %get3A_408 : vector<16xf32> to vector<16xf32>
      %add3A_410 = arith.addf %add3A_402, %get3A_409 : vector<16xf32>
      %get3A_411 = arith.constant 144 : index
      %get3A_412 = tpu.vector_load %arg11[%get3A_411] {strides = array<i32>} : memref<512xf32, #tpu.memory_space<vmem>>, vector<16xf32>,
      %get3A_413 = vector.shape_cast %get3A_412 : vector<16xf32> to vector<16xf32>
      %add3A_414 = arith.addf %add3A_406, %get3A_413 : vector<16xf32>
      %get3A_415 = arith.constant 160 : index
      %get3A_416 = tpu.vector_load %arg11[%get3A_415] {strides = array<i32>} : memref<512xf32, #tpu.memory_space<vmem>>, vector<16xf32>,
      %get3A_417 = vector.shape_cast %get3A_416 : vector<16xf32> to vector<16xf32>
      %add3A_418 = arith.addf %add3A_410, %get3A_417 : vector<16xf32>
      %get3A_419 = arith.constant 176 : index
      %get3A_420 = tpu.vector_load %arg11[%get3A_419] {strides = array<i32>} : memref<512xf32, #tpu.memory_space<vmem>>, vector<16xf32>,
      %get3A_421 = vector.shape_cast %get3A_420 : vector<16xf32> to vector<16xf32>
      %add3A_422 = arith.addf %add3A_414, %get3A_421 : vector<16xf32>
      %get3A_423 = arith.constant 192 : index
      %get3A_424 = tpu.vector_load %arg11[%get3A_423] {strides = array<i32>} : memref<512xf32, #tpu.memory_space<vmem>>, vector<16xf32>,
      %get3A_425 = vector.shape_cast %get3A_424 : vector<16xf32> to vector<16xf32>
      %add3A_426 = arith.addf %add3A_418, %get3A_425 : vector<16xf32>
      %get3A_427 = arith.constant 208 : index
      %get3A_428 = tpu.vector_load %arg11[%get3A_427] {strides = array<i32>} : memref<512xf32, #tpu.memory_space<vmem>>, vector<16xf32>,
      %get3A_429 = vector.shape_cast %get3A_428 : vector<16xf32> to vector<16xf32>
      %add3A_430 = arith.addf %add3A_422, %get3A_429 : vector<16xf32>
      %get3A_431 = arith.constant 224 : index
      %get3A_432 = tpu.vector_load %arg11[%get3A_431] {strides = array<i32>} : memref<512xf32, #tpu.memory_space<vmem>>, vector<16xf32>,
      %get3A_433 = vector.shape_cast %get3A_432 : vector<16xf32> to vector<16xf32>
      %add3A_434 = arith.addf %add3A_426, %get3A_433 : vector<16xf32>
      %get3A_435 = arith.constant 240 : index
      %get3A_436 = tpu.vector_load %arg11[%get3A_435] {strides = array<i32>} : memref<512xf32, #tpu.memory_space<vmem>>, vector<16xf32>,
      %get3A_437 = vector.shape_cast %get3A_436 : vector<16xf32> to vector<16xf32>
      %add3A_438 = arith.addf %add3A_430, %get3A_437 : vector<16xf32>
      %get3A_439 = arith.constant 256 : index
      %get3A_440 = tpu.vector_load %arg11[%get3A_439] {strides = array<i32>} : memref<512xf32, #tpu.memory_space<vmem>>, vector<16xf32>,
      %get3A_441 = vector.shape_cast %get3A_440 : vector<16xf32> to vector<16xf32>
      %add3A_442 = arith.addf %add3A_434, %get3A_441 : vector<16xf32>
      %get3A_443 = arith.constant 272 : index
      %get3A_444 = tpu.vector_load %arg11[%get3A_443] {strides = array<i32>} : memref<512xf32, #tpu.memory_space<vmem>>, vector<16xf32>,
      %get3A_445 = vector.shape_cast %get3A_444 : vector<16xf32> to vector<16xf32>
      %add3A_446 = arith.addf %add3A_438, %get3A_445 : vector<16xf32>
      %get3A_447 = arith.constant 288 : index
      %get3A_448 = tpu.vector_load %arg11[%get3A_447] {strides = array<i32>} : memref<512xf32, #tpu.memory_space<vmem>>, vector<16xf32>,
      %get3A_449 = vector.shape_cast %get3A_448 : vector<16xf32> to vector<16xf32>
      %add3A_450 = arith.addf %add3A_442, %get3A_449 : vector<16xf32>
      %get3A_451 = arith.constant 304 : index
      %get3A_452 = tpu.vector_load %arg11[%get3A_451] {strides = array<i32>} : memref<512xf32, #tpu.memory_space<vmem>>, vector<16xf32>,
      %get3A_453 = vector.shape_cast %get3A_452 : vector<16xf32> to vector<16xf32>
      %add3A_454 = arith.addf %add3A_446, %get3A_453 : vector<16xf32>
      %get3A_455 = arith.constant 320 : index
      %get3A_456 = tpu.vector_load %arg11[%get3A_455] {strides = array<i32>} : memref<512xf32, #tpu.memory_space<vmem>>, vector<16xf32>,
      %get3A_457 = vector.shape_cast %get3A_456 : vector<16xf32> to vector<16xf32>
      %add3A_458 = arith.addf %add3A_450, %get3A_457 : vector<16xf32>
      %get3A_459 = arith.constant 336 : index
      %get3A_460 = tpu.vector_load %arg11[%get3A_459] {strides = array<i32>} : memref<512xf32, #tpu.memory_space<vmem>>, vector<16xf32>,
      %get3A_461 = vector.shape_cast %get3A_460 : vector<16xf32> to vector<16xf32>
      %add3A_462 = arith.addf %add3A_454, %get3A_461 : vector<16xf32>
      %get3A_463 = arith.constant 352 : index
      %get3A_464 = tpu.vector_load %arg11[%get3A_463] {strides = array<i32>} : memref<512xf32, #tpu.memory_space<vmem>>, vector<16xf32>,
      %get3A_465 = vector.shape_cast %get3A_464 : vector<16xf32> to vector<16xf32>
      %add3A_466 = arith.addf %add3A_458, %get3A_465 : vector<16xf32>
      %get3A_467 = arith.constant 368 : index
      %get3A_468 = tpu.vector_load %arg11[%get3A_467] {strides = array<i32>} : memref<512xf32, #tpu.memory_space<vmem>>, vector<16xf32>,
      %get3A_469 = vector.shape_cast %get3A_468 : vector<16xf32> to vector<16xf32>
      %add3A_470 = arith.addf %add3A_462, %get3A_469 : vector<16xf32>
      %get3A_471 = arith.constant 384 : index
      %get3A_472 = tpu.vector_load %arg11[%get3A_471] {strides = array<i32>} : memref<512xf32, #tpu.memory_space<vmem>>, vector<16xf32>,
      %get3A_473 = vector.shape_cast %get3A_472 : vector<16xf32> to vector<16xf32>
      %add3A_474 = arith.addf %add3A_466, %get3A_473 : vector<16xf32>
      %get3A_475 = arith.constant 400 : index
      %get3A_476 = tpu.vector_load %arg11[%get3A_475] {strides = array<i32>} : memref<512xf32, #tpu.memory_space<vmem>>, vector<16xf32>,
      %get3A_477 = vector.shape_cast %get3A_476 : vector<16xf32> to vector<16xf32>
      %add3A_478 = arith.addf %add3A_470, %get3A_477 : vector<16xf32>
      %get3A_479 = arith.constant 416 : index
      %get3A_480 = tpu.vector_load %arg11[%get3A_479] {strides = array<i32>} : memref<512xf32, #tpu.memory_space<vmem>>, vector<16xf32>,
      %get3A_481 = vector.shape_cast %get3A_480 : vector<16xf32> to vector<16xf32>
      %add3A_482 = arith.addf %add3A_474, %get3A_481 : vector<16xf32>
      %get3A_483 = arith.constant 432 : index
      %get3A_484 = tpu.vector_load %arg11[%get3A_483] {strides = array<i32>} : memref<512xf32, #tpu.memory_space<vmem>>, vector<16xf32>,
      %get3A_485 = vector.shape_cast %get3A_484 : vector<16xf32> to vector<16xf32>
      %add3A_486 = arith.addf %add3A_478, %get3A_485 : vector<16xf32>
      %get3A_487 = arith.constant 448 : index
      %get3A_488 = tpu.vector_load %arg11[%get3A_487] {strides = array<i32>} : memref<512xf32, #tpu.memory_space<vmem>>, vector<16xf32>,
      %get3A_489 = vector.shape_cast %get3A_488 : vector<16xf32> to vector<16xf32>
      %add3A_490 = arith.addf %add3A_482, %get3A_489 : vector<16xf32>
      %get3A_491 = arith.constant 464 : index
      %get3A_492 = tpu.vector_load %arg11[%get3A_491] {strides = array<i32>} : memref<512xf32, #tpu.memory_space<vmem>>, vector<16xf32>,
      %get3A_493 = vector.shape_cast %get3A_492 : vector<16xf32> to vector<16xf32>
      %add3A_494 = arith.addf %add3A_486, %get3A_493 : vector<16xf32>
      %get3A_495 = arith.constant 480 : index
      %get3A_496 = tpu.vector_load %arg11[%get3A_495] {strides = array<i32>} : memref<512xf32, #tpu.memory_space<vmem>>, vector<16xf32>,
      %get3A_497 = vector.shape_cast %get3A_496 : vector<16xf32> to vector<16xf32>
      %add3A_498 = arith.addf %add3A_490, %get3A_497 : vector<16xf32>
      %get3A_499 = arith.constant 496 : index
      %get3A_500 = tpu.vector_load %arg11[%get3A_499] {strides = array<i32>} : memref<512xf32, #tpu.memory_space<vmem>>, vector<16xf32>,
      %get3A_501 = vector.shape_cast %get3A_500 : vector<16xf32> to vector<16xf32>
      %add3A_502 = arith.addf %add3A_494, %get3A_501 : vector<16xf32>
      %bitcast_convert_type3A = tpu.bitcast %add3A_498 : vector<16xf32> -> vector<16xi32>
      %shift_right_arithmetic3A = arith.constant 23 : i32
      %shift_right_arithmetic3A_503 = vector.broadcast %shift_right_arithmetic3A : i32 to vector<16xi32>
      %shift_right_arithmetic3A_504 = arith.shrsi %bitcast_convert_type3A, %shift_right_arithmetic3A_503 : vector<16xi32>
      %and3A_505 = arith.constant 255 : i32
      %and3A_506 = vector.broadcast %and3A_505 : i32 to vector<16xi32>
      %and3A_507 = arith.andi %shift_right_arithmetic3A_504, %and3A_506 : vector<16xi32>
      %sub3A_508 = arith.constant 127 : i32
      %sub3A_509 = vector.broadcast %sub3A_508 : i32 to vector<16xi32>
      %sub3A_510 = arith.subi %and3A_507, %sub3A_509 : vector<16xi32>
      %convert_element_type3A_511 = arith.sitofp %sub3A_510 : vector<16xi32> to vector<16xf32>
      %mul3A_512 = arith.constant 0.693147182 : f32
      %mul3A_513 = vector.broadcast %mul3A_512 : f32 to vector<16xf32>
      %mul3A_514 = arith.mulf %convert_element_type3A_511, %mul3A_513 : vector<16xf32>
      %add3A_515 = arith.constant 0.346573591 : f32
      %add3A_516 = vector.broadcast %add3A_515 : f32 to vector<16xf32>
      %add3A_517 = arith.addf %mul3A_514, %add3A_516 : vector<16xf32>
      %neg3A = arith.constant 0.000000e+00 : f32
      %neg3A_518 = vector.broadcast %neg3A : f32 to vector<16xf32>
      %neg3A_519 = arith.subf %neg3A_518, %add3A_517 : vector<16xf32>
      %exp3A_520 = math.exp %neg3A_519 : vector<16xf32>
      %mul3A_521 = arith.mulf %add3A_498, %exp3A_520 : vector<16xf32>
      %add3A_522 = arith.addf %add3A_517, %mul3A_521 : vector<16xf32>
      %sub3A_523 = arith.constant 1.000000e+00 : f32
      %sub3A_524 = vector.broadcast %sub3A_523 : f32 to vector<16xf32>
      %sub3A_525 = arith.subf %add3A_522, %sub3A_524 : vector<16xf32>
      %neg3A_526 = arith.constant 0.000000e+00 : f32
      %neg3A_527 = vector.broadcast %neg3A_526 : f32 to vector<16xf32>
      %neg3A_528 = arith.subf %neg3A_527, %sub3A_525 : vector<16xf32>
      %exp3A_529 = math.exp %neg3A_528 : vector<16xf32>
      %mul3A_530 = arith.mulf %add3A_498, %exp3A_529 : vector<16xf32>
      %add3A_531 = arith.addf %sub3A_525, %mul3A_530 : vector<16xf32>
      %sub3A_532 = arith.constant 1.000000e+00 : f32
      %sub3A_533 = vector.broadcast %sub3A_532 : f32 to vector<16xf32>
      %sub3A_534 = arith.subf %add3A_531, %sub3A_533 : vector<16xf32>
      %neg3A_535 = arith.constant 0.000000e+00 : f32
      %neg3A_536 = vector.broadcast %neg3A_535 : f32 to vector<16xf32>
      %neg3A_537 = arith.subf %neg3A_536, %sub3A_534 : vector<16xf32>
      %exp3A_538 = math.exp %neg3A_537 : vector<16xf32>
      %mul3A_539 = arith.mulf %add3A_498, %exp3A_538 : vector<16xf32>
      %add3A_540 = arith.addf %sub3A_534, %mul3A_539 : vector<16xf32>
      %sub3A_541 = arith.constant 1.000000e+00 : f32
      %sub3A_542 = vector.broadcast %sub3A_541 : f32 to vector<16xf32>
      %sub3A_543 = arith.subf %add3A_540, %sub3A_542 : vector<16xf32>
      %neg3A_544 = arith.constant 0.000000e+00 : f32
      %neg3A_545 = vector.broadcast %neg3A_544 : f32 to vector<16xf32>
      %neg3A_546 = arith.subf %neg3A_545, %sub3A_543 : vector<16xf32>
      %exp3A_547 = math.exp %neg3A_546 : vector<16xf32>
      %mul3A_548 = arith.mulf %add3A_498, %exp3A_547 : vector<16xf32>
      %add3A_549 = arith.addf %sub3A_543, %mul3A_548 : vector<16xf32>
      %sub3A_550 = arith.constant 1.000000e+00 : f32
      %sub3A_551 = vector.broadcast %sub3A_550 : f32 to vector<16xf32>
      %sub3A_552 = arith.subf %add3A_549, %sub3A_551 : vector<16xf32>
      %add3A_553 = arith.constant 1.200000e+01 : f32
      %add3A_554 = vector.broadcast %add3A_553 : f32 to vector<16xf32>
      %add3A_555 = arith.addf %add3A_554, %sub3A_552 : vector<16xf32>
      %sub3A_556 = arith.subf %add3A_555, %add3A_502 : vector<16xf32>
      %swap3A_557 = arith.constant 0 : index
      %swap3A_558 = tpu.vector_load %arg10[%swap3A_557] {strides = array<i32>} : memref<16xf32, #tpu.memory_space<vmem>>, vector<16xf32>,
      %swap3A_559 = vector.shape_cast %swap3A_558 : vector<16xf32> to vector<16xf32>
      %swap3A_560 = vector.shape_cast %sub3A_556 : vector<16xf32> to vector<16xf32>
      tpu.vector_store %arg10[%swap3A_557], %swap3A_560 {strides = array<i32>} : memref<16xf32, #tpu.memory_space<vmem>>, vector<16xf32>,
      "tpu.region"() ({
        %run_scoped3A = tpu.sem_alloc : memref<!tpu.dma_semaphore, #tpu.memory_space<semaphore_mem>>
        tpu.enqueue_dma source(%arg10 : memref<16xf32, #tpu.memory_space<vmem>>) target(%arg5 : memref<16xf32, #tpu.memory_space<hbm>>) target_semaphore(%run_scoped3A : memref<!tpu.dma_semaphore, #tpu.memory_space<semaphore_mem>>)
        tpu.wait_dma2 semaphore(%run_scoped3A : memref<!tpu.dma_semaphore, #tpu.memory_space<semaphore_mem>>) src(%arg10 : memref<16xf32, #tpu.memory_space<vmem>>) dst(%arg5 : memref<16xf32, #tpu.memory_space<hbm>>)
        tpu.yield
      }) : () -> ()
    } else {
    }
    return
  }
}

</mosaic_0001>

<sc_bundles>
// kernel: _sc_loss.3.cloned.1.call-start
scs
__scs_entry_jumppad:
0x0: {  	(pc) =	sbr.rel $0x88, $3  }
0x1: {  	(tag) =	ssettag $0x0;
	lr =	simm.s32 $0x1  }
0x2: {  	[smem:$0x3F9E] =	sst lr;
	_ =	strace $0xD0000000  }
0x3: {  	_ = 	snop  }
0x4: {  	_ = 	snop  }
0x5: {  	_ = 	snop  }
0x6: {  	_ = 	snop  }
0x7: {  	_ = 	snop  }
__scs_overlays_trampoline_lowered:
0x8: {  	[smem:$0x3FAD] =	sst s0  }
0x9: {  	[smem:$0x3FAE] =	sst s1  }
0xa: {  	[smem:$0x3FAF] =	sst s2  }
0xb: {  	[smem:$0x3FB0] =	sst s3  }
0xc: {  	[smem:$0x3FB1] =	sst s4  }
0xd: {  	[smem:$0x3FB2] =	sst s5  }
0xe: {  	[smem:$0x3FB3] =	sst s6  }
0xf: {  	[smem:$0x3FB4] =	sst s7  }
0x10: {  	[smem:$0x3FB5] =	sst s8  }
0x11: {  	[smem:$0x3FB6] =	sst s9;
	s0 =	simm.s32 @!p0 $0x0  }
0x12: {  	s1 =	sld [smem:$0x3F9C];
	s0 =	simm.s32 @p0 $0x1  }
0x13: {  	[smem:$0x3FB7] =	sst s0;
	s0 =	simm.s32 @!p1 $0x0  }
0x14: {  	s2 =	sld [smem:$0x3F9B];
	s0 =	simm.s32 @p1 $0x1  }
0x15: {  	[smem:$0x3FB8] =	sst s0;
	s0 =	simm.s32 @!p2 $0x0  }
0x16: {  	s3 =	sld [smem:$0x3FDB];
	s0 =	simm.s32 @p2 $0x1  }
0x17: {  	s4 =	simm.s32 $0x1BF5;
	[smem:$0x3FBA] =	sst s0  }
0x18: {  	s0 =	sld [smem:$0x3F9D];
	_ =	swait.ge [sflag:s4], $0x0  }
0x19: {  	s7 =	sld [smem:$0x3F9E]  }
0x1a: {  	s8 =	sadd.s32 $0xFFFFE003, lr  }
0x1b: {  	s9 =	sadd.s32 $0xFFFFFEF7, lr;
	s5 =	simm.s32 $0xFFFFFFFF;
	p2 =	slt.u32 s8, $0xFFFFF086  }
0x1c: {  	p1 =	slt.u32 s9, $0xF7A;
	s5 =	simm.s32 @!p2 $0x0  }
0x1d: {  	s5 =	simm.s32 @p1 $0x1;
	p0 =	seq.s32 s7, s2  }
0x1e: {  	s7 =	smul.u32 @!p0 $0xF7A, s2;
	p2 =	seq.s32 @!p0 s5, $0x0  }
0x1f: {  	s9 =	smul.u32 $0xF7A, s1;
	s8 =	simm.s32 @!p0 $0x1BF5;
	p2 =	por !p2, p0  }
0x20: {  	[sflag:s8] =	ssyncset.s32 @!p0 $0xFFFFF086;
	s6 =	sadd.s32 @!p0 s3, s7;
	s7 =	simm.s32 @!p0 $0x108  }
0x21: {  	s3 =	sadd.s32 s3, s9;
	s6 =	sadd.s32 @!p0 $0x88, s6;
	s7 =	simm.s32 @p2 $0x1082  }
0x22: {  	[simem:s7], [sflag:s8] =	dma.local @!p0 [hbm:s6], $0xF7A  }
0x23: {  	s9 =	sor.u32 $0xD0000000, s2;
	s6 =	simm.s32 $0x108;
	_ =	swait.ge @!p0 [sflag:s8], $0x0  }
0x24: {  	s3 =	sadd.s32 $0x88, s3;
	s6 =	simm.s32 @!p1 $0x1082;
	[sflag:s4] =	ssyncset.s32 $0xFFFFF086  }
0x25: {  	[simem:s6], [sflag:s4] =	dma.local [hbm:s3], $0xF7A  }
0x26: {  	[smem:$0x3F9E] =	sst s1;
	(tag) =	ssettag s2;
	_ =	strace s9  }
0x27: {  	s1 =	sld [smem:$0x3FAE]  }
0x28: {  	s2 =	sld [smem:$0x3FAF]  }
0x29: {  	s4 =	sld [smem:$0x3FB1]  }
0x2a: {  	p0 =	seq.s32 s5, $0x0;
	s5 =	sld [smem:$0x3FB2]  }
0x2b: {  	s6 =	sld [smem:$0x3FB3]  }
0x2c: {  	s7 =	sld [smem:$0x3FB4]  }
0x2d: {  	s3 =	simm.s32 $0x108;
	s8 =	sld [smem:$0x3FB5]  }
0x2e: {  	s3 =	simm.s32 @!p0 $0x1082;
	s9 =	sld [smem:$0x3FB6]  }
0x2f: {  	lr =	sadd.s32 s0, s3;
	s0 =	sld [smem:$0x3FAD]  }
0x30: {  	s3 =	sld [smem:$0x3FB0]  }
0x31: {  	[smem:$0x3FB9] =	sst s10  }
0x32: {  	s10 =	sld [smem:$0x3FB7];
	_ =	sdelay $0x3  }
0x33: {  	p0 =	seq.s32 s10, $0x1;
	s10 =	sld [smem:$0x3FB9];
	_ =	sdelay $0x3  }
0x34: {  	[smem:$0x3FB9] =	sst s10  }
0x35: {  	s10 =	sld [smem:$0x3FB8];
	_ =	sdelay $0x3  }
0x36: {  	p1 =	seq.s32 s10, $0x1;
	s10 =	sld [smem:$0x3FB9];
	_ =	sdelay $0x3  }
0x37: {  	[smem:$0x3FB9] =	sst s10  }
0x38: {  	s10 =	sld [smem:$0x3FBA]  }
0x39: {  	_ = 	snop;
	(pc) =	sbr.ind lr, $3  }
0x3a: {  	_ = 	snop  }
0x3b: {  	_ = 	snop  }
0x3c: {  	p2 =	seq.s32 s10, $0x1;
	s10 =	sld [smem:$0x3FB9]  }
0x3d: {  	_ =	shalt  }
0x3e: {  	_ =	shalt  }
0x3f: {  	_ =	shalt  }
0x40: {  	_ =	shalt  }
0x41: {  	_ =	shalt  }
0x42: {  	_ =	shalt  }
0x43: {  	_ =	shalt  }
0x44: {  	_ =	shalt  }
0x45: {  	_ =	shalt  }
0x46: {  	_ =	shalt  }
0x47: {  	_ =	shalt  }
0x48: {  	_ =	shalt  }
0x49: {  	_ =	shalt  }
0x4a: {  	_ =	shalt  }
0x4b: {  	_ =	shalt  }
0x4c: {  	_ =	shalt  }
0x4d: {  	_ =	shalt  }
0x4e: {  	_ =	shalt  }
0x4f: {  	_ =	shalt  }
0x50: {  	_ =	shalt  }
0x51: {  	_ =	shalt  }
0x52: {  	_ =	shalt  }
0x53: {  	_ =	shalt  }
0x54: {  	_ =	shalt  }
0x55: {  	_ =	shalt  }
0x56: {  	_ =	shalt  }
0x57: {  	_ =	shalt  }
0x58: {  	_ =	shalt  }
0x59: {  	_ =	shalt  }
0x5a: {  	_ =	shalt  }
0x5b: {  	_ =	shalt  }
0x5c: {  	_ =	shalt  }
0x5d: {  	_ =	shalt  }
0x5e: {  	_ =	shalt  }
0x5f: {  	_ =	shalt  }
0x60: {  	_ =	shalt  }
0x61: {  	_ =	shalt  }
0x62: {  	_ =	shalt  }
0x63: {  	_ =	shalt  }
0x64: {  	_ =	shalt  }
0x65: {  	_ =	shalt  }
0x66: {  	_ =	shalt  }
0x67: {  	_ =	shalt  }
0x68: {  	_ =	shalt  }
0x69: {  	_ =	shalt  }
0x6a: {  	_ =	shalt  }
0x6b: {  	_ =	shalt  }
0x6c: {  	_ =	shalt  }
0x6d: {  	_ =	shalt  }
0x6e: {  	_ =	shalt  }
0x6f: {  	_ =	shalt  }
0x70: {  	_ =	shalt  }
0x71: {  	_ =	shalt  }
0x72: {  	_ =	shalt  }
0x73: {  	_ =	shalt  }
0x74: {  	_ =	shalt  }
0x75: {  	_ =	shalt  }
0x76: {  	_ =	shalt  }
0x77: {  	_ =	shalt  }
0x78: {  	_ =	shalt  }
0x79: {  	_ =	shalt  }
0x7a: {  	_ =	shalt  }
0x7b: {  	_ =	shalt  }
0x7c: {  	_ =	shalt  }
0x7d: {  	_ =	shalt  }
0x7e: {  	_ =	shalt  }
0x7f: {  	_ =	shalt  }
0x80: {  	_ =	shalt  }
0x81: {  	_ =	shalt  }
0x82: {  	_ =	shalt  }
0x83: {  	_ =	shalt  }
0x84: {  	_ =	shalt  }
0x85: {  	_ =	shalt  }
0x86: {  	_ =	shalt  }
0x87: {  	_ =	shalt  }
.Lfunc_end0:
.L_simem_size_0:
called_computation_lowered:
.L_overlay_start_0:
0x88: {  	s0 =	sld [smem:$0x3FD9]  }
0x89: {  	s1 =	sld [smem:$0x3FFE];
	_ =	sdelay $0x3  }
0x8a: {  	s0 =	sadd.s32 s1, s0  }
0x8b: {  	[smem:$0x3FC5] =	sst s0  }
0x8c: {  	_ = 	snop  }
0x8d: {  	s0 =	sld [smem:$0x3FC9]  }
0x8e: {  	s17 =	sld [smem:$0x3FC8]  }
0x8f: {  	s2 =	sld [smem:$0x3FC7]  }
0x90: {  	s3 =	sld [smem:$0x3FD0];
	(tm) =	ssettm $0x1  }
0x91: {  	s4 =	sld [smem:$0x3FFB];
	_ =	sdelay $0x3  }
0x92: {  	_ =	strace s4  }
0x93: {  	s4 =	sld [smem:$0x3FFC];
	_ =	sdelay $0x3  }
0x94: {  	_ =	strace s4  }
0x95: {  	s4 =	sld [smem:$0x3FFD];
	_ =	sdelay $0x3  }
0x96: {  	_ =	strace s4  }
0x97: {  	_ =	strace $0x8FFFFFFF  }
0x98: {  	s18 =	sld [smem:$0x3FDB];
	_ =	sdelay $0x1  }
0x99: {  	s5 =	simm.s32 $_scs_section_size  }
0x9a: {  	s6 =	simm.s32 $_size__tile_overlayer_lowered;
	s7 =	simm.s32 $_tile_overlayer_lowered  }
0x9b: {  	s21 =	simm.s32 $0x1BFF;
	s20 =	sshll.u32 s7, $0x1;
	s4 =	sadd.s32 s5, s18  }
0x9c: {  	s8 =	simm.s32 $0x0;
	s19 =	sshll.u32 s6, $0x1;
	s6 =	sadd.s32 s20, s4  }
0x9d: {  	[timem:s8], [sflag:s21] =	dma.local [hbm:s6], s19  }
0x9e: {  	_ =	swait.ge [sflag:s21], s19  }
0x9f: {  	s5 =	ssub.s32 $0x0, s19;
	[sflag:s21] =	ssyncset.done $0x0  }
0xa0: {  	[sflag:s21] =	ssyncadd.s32 s5;
	_ =	sdelay $0x1  }
0xa1: {  	s22 =	simm.s32 $0x1B8B  }
0xa2: {  	_ =	swait.ge [sflag:s22], $0x1  }
0xa3: {  	[sflag:s22] =	ssyncset.done $0x0  }
0xa4: {  	s23 =	simm.s32 $0x1B8E;
	[sflag:s22] =	ssyncadd.s32 $0xFFFFFFFF  }
0xa5: {  	s24 =	simm.s32 $execute0_lowered;
	[smem:$0x3FD2] =	sst s23  }
0xa6: {  	s5 =	sshll.u32 s24, $0x1;
	_ =	strace $0x80000046;
	[dreg:$0x1] =	wrdreg $0xFFFFFFFF  }
0xa7: {  	s25 =	simm.s32 $_size_execute0_lowered;
	s4 =	sadd.s32 s4, s5;
	[dreg:$0x0] =	wrdreg $0x0  }
0xa8: {  	s5 =	sshll.u32 s25, $0x1;
	[dreg:$0x2] =	wrdreg s4  }
0xa9: {  	[dreg:$0x3] =	wrdreg s5  }
0xaa: {  	[dreg:$0x4] =	wrdreg $0xC0  }
0xab: {  	_ =	task [dreg:s8], $0x5FFFF  }
0xac: {  	[dreg:$0x1] =	wrdreg $0xFFFFFFFF  }
0xad: {  	[dreg:$0x0] =	wrdreg $0x60  }
0xae: {  	[dreg:$0x2] =	wrdreg s0  }
0xaf: {  	[dreg:$0x3] =	wrdreg s17  }
0xb0: {  	[dreg:$0x4] =	wrdreg s2  }
0xb1: {  	[dreg:$0x5] =	wrdreg s3  }
0xb2: {  	[dreg:$0x6] =	wrdreg $0x34800  }
0xb3: {  	[dreg:$0x7] =	wrdreg $0x9  }
0xb4: {  	_ =	task.clear_ibuf [dreg:s8], $0x8FFFF;
	_ =	strace $0x90000046  }
0xb5: {  	s26 =	simm.s32 $0x9;
	_ =	strace $0x80000048  }
0xb6: {  	_ =	swait.ge [sflag:s26], $0x1  }
0xb7: {  	[sflag:s26] =	ssyncadd.s32 $0xFFFFFFFF  }
0xb8: {  	_ =	strace $0x90000048  }
0xb9: {  	_ =	sfence  }
0xba: {  	s28 =	sld [smem:$0x0];
	_ =	sdelay $0x1  }
0xbb: {  	s29 =	srdreg.scid  }
0xbc: {  	s30 =	sshll.u32 s29, $0xD;
	s31 =	sshrl.u32 s29, $0x2  }
0xbd: {  	s1 =	sand.u32 $0x1, s29;
	s2 =	sand.u32 $0x4000, s30;
	s0 =	sadd.s32 s31, s28  }
0xbe: {  	s1 =	sor.u32 s2, s1;
	s0 =	sshll.u32 s0, $0x11  }
0xbf: {  	s0 =	sor.u32 s0, s1  }
0xc0: {  	s0 =	sadd.s32 $0x8F2B, s0  }
0xc1: {  	[sflag:s0] =	ssyncadd.remote.s32 $0x1  }
0xc2: {  	_ =	sfence.sel $0xFFFF  }
0xc3: {  	[dreg:$0x0] =	wrdreg $0xFFFFFFFF;
	(pc) =	sbr.abs _section_cstart, $3  }
0xc4: {  	[dreg:$0x1] =	wrdreg $0xFFFFFFFF  }
0xc5: {  	_ =	task.clear_ibuf [dreg:s8], $0x2FFFF;
	_ =	strace $0x9FFFFFFF  }
0xc6: {  	(tm) =	ssettm $0x7FFFFFFF  }
0xc7: {  	_ =	shalt  }
tec
execute0_lowered:
.L_overlay_start_1:
0x0: {  	(tag) =	ssettag $0x1  }
0x1: {  	s6 =	rddreg [dreg:$0x0];
	s3 =	stileid.u32  }
0x2: {  	s7 =	rddreg [dreg:$0x1];
	s4 =	smul.u32 $0x186A, s3  }
0x3: {  	s8 =	rddreg [dreg:$0x2]  }
0x4: {  	s1 =	rddreg [dreg:$0x3];
	s5 =	sand.u32 $0x1FFF8, s4  }
0x5: {  	s2 =	rddreg [dreg:$0x4];
	s9 =	simm.s32 $0x0;
	s5 =	smin.u32 s5, $0x16E20  }
0x6: {  	[smem:$0x7FF] =	sst s9;
	s10 =	sshrl.u32 s5, $0x3  }
0x7: {  	s0 =	rddreg [dreg:$0x5];
	_ =	strace $0x80000047;
	s6 =	sadd.s32 s6, s10  }
0x8: {  	[tilespmem:s9], [sflag:$0x1] =	stream.linear.gather [hbm4b:s6+s9], $0x1880, $0x38;
	[tilespmem:$0x34A0] =	vst v63  }
0x9: {  	s25 =	simm.s32 $0x1880;
	s24 =	sadd.s32 s7, s10  }
0xa: {  	[tilespmem:s25], [sflag:$0x2] =	stream.linear.gather [hbm4b:s24+s9], $0x1880, $0x38;
	[tilespmem:$0x34A0] =	vst v63  }
0xb: {  	s26 =	simm.s32 $0x3100;
	s28 =	simm.s32 $0x1  }
0xc: {  	[tilespmem:s26], [sflag:$0x3] =	stream.linear.gather [hbm4b:s8+s9], $0x80, $0x38;
	[tilespmem:$0x34A0] =	vst v63  }
0xd: {  	_ =	swait.ge [sflag:s28], $0x1880  }
0xe: {  	[sflag:s28] =	ssyncset.done $0x0  }
0xf: {  	s29 =	simm.s32 $0x2;
	[sflag:s28] =	ssyncadd.s32 $0xFFFFE780  }
0x10: {  	_ =	swait.ge [sflag:s29], $0x1880  }
0x11: {  	[sflag:s29] =	ssyncset.done $0x0  }
0x12: {  	[sflag:s29] =	ssyncadd.s32 $0xFFFFE780  }
0x13: {  	v15 =	vld [tilespmem:$0x0]  }
0x14: {  	v6 =	vld [tilespmem:$0x1880]  }
0x15: {  	v14 =	vld [tilespmem:$0x1840]  }
0x16: {  	v7 =	vld [tilespmem:$0x30C0]  }
0x17: {  	v13 =	vld [tilespmem:$0x10]  }
0x18: {  	v4 =	vld [tilespmem:$0x1890]  }
0x19: {  	v12 =	vld [tilespmem:$0x1850]  }
0x1a: {  	v3 =	vld [tilespmem:$0x30D0]  }
0x1b: {  	v11 =	vld [tilespmem:$0x20]  }
0x1c: {  	v2 =	vld [tilespmem:$0x18A0]  }
0x1d: {  	v10 =	vld [tilespmem:$0x1860]  }
0x1e: {  	v1 =	vld [tilespmem:$0x30E0]  }
0x1f: {  	v9 =	vld [tilespmem:$0x30]  }
0x20: {  	s30 =	simm.s32 $0x0;
	v0 =	vld [tilespmem:$0x18B0]  }
0x21: {  	v5 =	vld [tilespmem:s30+$0x70]  }
0x22: {  	v16 =	vld [tilespmem:s30+$0x40]  }
0x23: {  	v17 =	vld [tilespmem:s30+$0x50]  }
0x24: {  	v18 =	vld [tilespmem:s30+$0x60]  }
0x25: {  	v20 =	vld [tilespmem:s30+$0x18C0]  }
0x26: {  	v21 =	vld [tilespmem:s30+$0x18D0]  }
0x27: {  	s31 =	simm.s32 $0x40;
	v22 =	vld [tilespmem:s30+$0x18E0];
	v5 =	vadd.f32 $-1.200000000e+01, v5  }
0x28: {  	v23 =	vld [tilespmem:s31+$0x70];
	v16 =	vadd.f32 $-1.200000000e+01, v16  }
0x29: {  	v25 =	vld [tilespmem:s31+$0x50];
	v5 =	vmul.f32 $1.442695020e+00, v5  }
0x2a: {  	s6 =	simm.s32 $0x80;
	v24 =	vld [tilespmem:s31+$0x40];
	v17 =	vadd.f32 $-1.200000000e+01, v17;
	v16 =	vmul.f32 $1.442695020e+00, v16  }
0x2b: {  	v26 =	vld [tilespmem:s6+$0x40];
	v18 =	vadd.f32 $-1.200000000e+01, v18;
	(erf) = vpow2.f32 v5  }
0x2c: {  	v17 =	vmul.f32 $1.442695020e+00, v17;
	(erf) = vpow2.f32 v16;
	v16 =	vld [tilespmem:s31+$0x60]  }
0x2d: {  	vm0 =	vgt.s32 v20, $0x0;
	v20 =	vld [tilespmem:s30+$0x18F0];
	v18 =	vmul.f32 $1.442695020e+00, v18  }
0x2e: {  	vm1 =	vgt.s32 v21, $0x0;
	v21 =	vadd.f32 $-1.200000000e+01, v25;
	v25 =	vld [tilespmem:s6+$0x70];
	(erf) = vpow2.f32 v17  }
0x2f: {  	v19 =	vimm.f32 $0.0e+00;
	v17 =	vld [tilespmem:s31+$0x18C0];
	(erf) = vpow2.f32 v18  }
0x30: {  	vm2 =	vgt.s32 v22, $0x0;
	v22 =	vld [tilespmem:s31+$0x18D0];
	v18 =	vadd.f32 $-1.200000000e+01, v23;
	v23 =	vadd.f32 $-1.200000000e+01, v24  }
0x31: {  	v8 =	vld [tilespmem:$0x1870];
	v27 =	vadd.f32 $-1.200000000e+01, v26;
	vm3 =	vmmov vm0;
	v16 =	vadd.f32 $-1.200000000e+01, v16  }
0x32: {  	vm4 =	vmmov vm1;
	v24 =	vld [tilespmem:s31+$0x18E0];
	v18 =	vmul.f32 $1.442695020e+00, v18;
	v23 =	vmul.f32 $1.442695020e+00, v23  }
0x33: {  	vm5 =	vmmov vm2;
	v5 =	vld [tilespmem:$0x30F0];
	v29 =	vadd.f32 $-1.200000000e+01, v25;
	v16 =	vmul.f32 $1.442695020e+00, v16  }
0x34: {  	vm0 =	vgt.s32 v17, $0x0;
	v17 =	vmul.f32 $1.442695020e+00, v21;
	(erf) = vpow2.f32 v18;
	v18 =	vld [tilespmem:s6+$0x50]  }
0x35: {  	vm2 =	vgt.s32 v20, $0x0;
	vm1 =	vgt.s32 v22, $0x0;
	v21 =	vld [tilespmem:s6+$0x60];
	(erf) = vpow2.f32 v23;
	v20 =	vpop (erf)  }
0x36: {  	v22 =	vld [tilespmem:s6+$0x18C0];
	v26 =	vmul.f32 $1.442695020e+00, v29;
	(erf) = vpow2.f32 v17;
	v17 =	vnsel vm2, $0x0, v20;
	v23 =	vpop (erf)  }
0x37: {  	vm2 =	vgt.s32 v24, $0x0;
	(erf) = vpow2.f32 v16;
	v20 =	vld [tilespmem:s31+$0x18F0];
	v24 =	vnsel vm3, $0x0, v23;
	v16 =	vpop (erf)  }
0x38: {  	v17 =	vadd.f32 v17, v19;
	v23 =	vld [tilespmem:s6+$0x18D0];
	v30 =	vnsel vm4, $0x0, v16;
	v25 =	vpop (erf);
	v16 =	vadd.f32 v24, v19  }
0x39: {  	s7 =	simm.s32 $0xC0;
	s8 =	simm.s32 $0x400;
	v24 =	vld [tilespmem:s6+$0x18E0];
	v28 =	vnsel vm5, $0x0, v25;
	v25 =	vadd.f32 $-1.200000000e+01, v18;
	v18 =	vadd.f32 v30, v19  }
.LBB2_1:
0x3a: {  	v27 =	vmul.f32 $1.442695020e+00, v27;
	v21 =	vadd.f32 $-1.200000000e+01, v21;
	v19 =	vadd.f32 v28, v19  }
0x3b: {  	p0 =	sne.s32 s8, $0x5F00;
	v29 =	vld [tilespmem:s7+$0x70];
	vm4 =	vmmov vm0;
	vm5 =	vmmov vm1;
	vm3 =	vmmov vm2  }
0x3c: {  	v28 =	vld [tilespmem:s7+$0x40];
	vm0 =	vgt.s32 v22, $0x0;
	v22 =	vmul.f32 $1.442695020e+00, v25;
	(erf) = vpow2.f32 v26  }
0x3d: {  	v25 =	vld [tilespmem:s7+$0x50];
	v26 =	vmul.f32 $1.442695020e+00, v21;
	(erf) = vpow2.f32 v27;
	vm2 =	vgt.s32 v20, $0x0;
	v20 =	vpop (erf)  }
.Ltmp0:
0x3e: {  	v21 =	vld [tilespmem:s7+$0x60];
	vm1 =	vgt.s32 v23, $0x0;
	(erf) = vpow2.f32 v22;
	v20 =	vnsel vm2, $0x0, v20;
	v23 =	vpop (erf);
	(pc) =	sbr.rel @p0 .LBB2_1-.Ltmp0, $4  }
0x3f: {  	v22 =	vld [tilespmem:s7+$0x18C0];
	vm2 =	vgt.s32 v24, $0x0;
	(erf) = vpow2.f32 v26;
	v17 =	vadd.f32 v20, v17;
	v24 =	vpop (erf)  }
0x40: {  	v26 =	vadd.f32 $-1.200000000e+01, v29;
	v20 =	vld [tilespmem:s6+$0x18F0];
	v29 =	vnsel vm4, $0x0, v23;
	v30 =	vnsel vm5, $0x0, v24;
	v24 =	vpop (erf);
	s6 =	smov.u32 s7  }
0x41: {  	v27 =	vadd.f32 $-1.200000000e+01, v28;
	v23 =	vld [tilespmem:s6+$0x18D0];
	v16 =	vadd.f32 v29, v16;
	v28 =	vnsel vm3, $0x0, v24  }
0x42: {  	s7 =	sshra.s32 s8, $0x2;
	s8 =	sadd.s32 $0x100, s8;
	v18 =	vadd.f32 v30, v18;
	v25 =	vadd.f32 $-1.200000000e+01, v25;
	v24 =	vld [tilespmem:s6+$0x18E0];
	v26 =	vmul.f32 $1.442695020e+00, v26  }
0x43: {  	v29 =	vld [tilespmem:s7+$0x70]  }
0x44: {  	v56 =	vld [tilespmem:s7+$0x40]  }
0x45: {  	v57 =	vld [tilespmem:s7+$0x50]  }
0x46: {  	v27 =	vmul.f32 $1.442695020e+00, v27;
	v21 =	vadd.f32 $-1.200000000e+01, v21;
	v58 =	vld [tilespmem:s7+$0x60]  }
0x47: {  	v19 =	vadd.f32 v28, v19;
	vm14 =	vgt.s32 v22, $0x0;
	v25 =	vmul.f32 $1.442695020e+00, v25  }
0x48: {  	(erf) = vpow2.f32 v26;
	v21 =	vmul.f32 $1.442695020e+00, v21;
	v60 =	vadd.f32 $-1.200000000e+01, v29  }
0x49: {  	(erf) = vpow2.f32 v27;
	vm15 =	vgt.s32 v23, $0x0;
	v61 =	vadd.f32 $-1.200000000e+01, v56  }
0x4a: {  	v59 =	vpop (erf);
	(erf) = vpow2.f32 v25;
	v22 =	vadd.f32 $-1.200000000e+01, v57;
	v23 =	vmul.f32 $1.442695020e+00, v60  }
0x4b: {  	(erf) = vpow2.f32 v21;
	v63 =	vadd.f32 $-1.200000000e+01, v58;
	v62 =	vmul.f32 $1.442695020e+00, v61  }
0x4c: {  	v15 =	vadd.f32 $-1.200000000e+01, v15;
	v22 =	vmul.f32 $1.442695020e+00, v22;
	(erf) = vpow2.f32 v23  }
0x4d: {  	v14 =	vadd.f32 $-1.200000000e+01, v14;
	v27 =	vmul.f32 $1.442695020e+00, v63;
	(erf) = vpow2.f32 v62  }
0x4e: {  	v13 =	vadd.f32 $-1.200000000e+01, v13;
	v15 =	vmul.f32 $1.442695020e+00, v15;
	v28 =	vpop (erf);
	(erf) = vpow2.f32 v22  }
0x4f: {  	v12 =	vadd.f32 $-1.200000000e+01, v12;
	v14 =	vmul.f32 $1.442695020e+00, v14;
	v29 =	vpop (erf);
	(erf) = vpow2.f32 v27  }
0x50: {  	v11 =	vadd.f32 $-1.200000000e+01, v11;
	v13 =	vmul.f32 $1.442695020e+00, v13;
	v30 =	vpop (erf);
	(erf) = vpow2.f32 v15  }
0x51: {  	v10 =	vadd.f32 $-1.200000000e+01, v10;
	v12 =	vmul.f32 $1.442695020e+00, v12;
	v31 =	vpop (erf);
	(erf) = vpow2.f32 v14  }
0x52: {  	v9 =	vadd.f32 $-1.200000000e+01, v9;
	v11 =	vmul.f32 $1.442695020e+00, v11;
	v33 =	vpop (erf);
	(erf) = vpow2.f32 v13  }
0x53: {  	v32 =	vld [tilespmem:s7+$0x18C0];
	v8 =	vadd.f32 $-1.200000000e+01, v8;
	v10 =	vmul.f32 $1.442695020e+00, v10;
	v35 =	vpop (erf);
	(erf) = vpow2.f32 v12  }
0x54: {  	v34 =	vld [tilespmem:s6+$0x18F0];
	v9 =	vmul.f32 $1.442695020e+00, v9;
	v38 =	vpop (erf);
	(erf) = vpow2.f32 v11  }
0x55: {  	v37 =	vld [tilespmem:s7+$0x18D0];
	v8 =	vmul.f32 $1.442695020e+00, v8;
	v41 =	vpop (erf);
	(erf) = vpow2.f32 v10  }
0x56: {  	vm5 =	vmmov vm0;
	v40 =	vld [tilespmem:s7+$0x18E0];
	v43 =	vpop (erf);
	(erf) = vpow2.f32 v9  }
0x57: {  	vm3 =	vmmov vm1;
	v47 =	vld [tilespmem:s7+$0x18F0];
	vm4 =	vgt.s32 v20, $0x0;
	v45 =	vpop (erf);
	(erf) = vpow2.f32 v8  }
0x58: {  	vm2 =	vmmov vm2;
	vm0 =	vmmov vm14;
	v20 =	vnsel vm4, $0x0, v59;
	v46 =	vpop (erf)  }
0x59: {  	vm8 =	vgt.s32 v24, $0x0;
	v36 =	vadd.f32 v20, v17;
	v39 =	vnsel vm5, $0x0, v28;
	v48 =	vpop (erf)  }
0x5a: {  	vm1 =	vmmov vm15;
	vm9 =	vmmov vm8;
	vm10 =	vgt.s32 v32, $0x0;
	v49 =	vpop (erf)  }
0x5b: {  	vm11 =	vgt.s32 v34, $0x0;
	vm12 =	vgt.s32 v37, $0x0;
	vm13 =	vgt.s32 v40, $0x0;
	v53 =	vpop (erf)  }
0x5c: {  	vm15 =	vgt.s32 v47, $0x0;
	v58 =	vlaneseq.u32;
	v42 =	vnsel vm3, $0x0, v29;
	v55 =	vpop (erf)  }
0x5d: {  	s22 =	sadd.s32 $0x1850, s5;
	s23 =	sadd.s32 $0x20, s5;
	s25 =	sadd.s32 $0x30, s5;
	vm14 =	vmmov vm10;
	vm6 =	vmmov vm12;
	vm7 =	vmmov vm13;
	v56 =	vpop (erf)  }
0x5e: {  	s18 =	sadd.s32 $0x1840, s5;
	v25 =	vadd.s32 s22, v58;
	v26 =	vadd.s32 s23, v58;
	v32 =	vadd.s32 s25, v58;
	v57 =	vpop (erf)  }
0x5f: {  	s19 =	sadd.s32 $0x10, s5;
	v44 =	vnsel vm2, $0x0, v30;
	v60 =	vadd.s32 s18, v58;
	v63 =	vadd.s32 s5, v58;
	v59 =	vpop (erf)  }
0x60: {  	s20 =	simm.s32 $0x3;
	s21 =	sadd.s32 $0x186A, s4;
	vm8 =	vge.u32 v63, s4;
	vm10 =	vge.u32 v60, s4;
	v62 =	vadd.s32 s19, v58;
	v61 =	vpop (erf)  }
0x61: {  	s24 =	sadd.s32 $0x1860, s5;
	v50 =	vnsel vm11, $0x0, v31;
	vm11 =	vlt.u32 v60, s21;
	vm12 =	vge.u32 v62, s4;
	_ =	swait.ge [sflag:s20], $0x80  }
0x62: {  	vm13 =	vlt.u32 v62, s21;
	v51 =	vnsel vm0, $0x0, v33;
	v27 =	vadd.s32 s24, v58;
	[sflag:s20] =	ssyncset.done $0x0  }
0x63: {  	v52 =	vnsel vm1, $0x0, v35;
	vm1 =	vmand vm10, vm11;
	vm10 =	vlt.u32 v26, s21;
	[sflag:s20] =	ssyncadd.s32 $0xFFFFFF80  }
0x64: {  	vm11 =	vgt.s32 v6, $0x0;
	v54 =	vnsel vm9, $0x0, v38;
	vm9 =	vlt.u32 v63, s21;
	v24 =	vld [tilespmem:$0x3100]  }
0x65: {  	vm0 =	vmand vm8, vm9;
	vm8 =	vlt.u32 v25, s21;
	vm9 =	vge.u32 v26, s4  }
0x66: {  	s26 =	sadd.s32 $0x1870, s5;
	v12 =	vadd.f32 v50, v36;
	vm4 =	vmand vm9, vm10;
	vm0 =	vmand vm11, vm0  }
0x67: {  	v36 =	vadd.s32 s26, v58;
	vm10 =	vgt.s32 v0, $0x0;
	v11 =	vadd.f32 v39, v16  }
0x68: {  	vm9 =	vge.u32 v36, s4;
	vm11 =	vlt.u32 v36, s21;
	v10 =	vadd.f32 v42, v18  }
0x69: {  	v42 =	vimm.s32 $0xFEDCBA98;
	v9 =	vadd.f32 v44, v19;
	(v2sf) =	vpush v24, $0x0  }
0x6a: {  	v11 =	vadd.f32 v51, v11;
	v19 =	vnsel vm15, $0x0, v41;
	vm15 =	vge.u32 v25, s4  }
0x6b: {  	v44 =	vimm.s32 $0x76543210;
	v10 =	vadd.f32 v52, v10;
	v12 =	vadd.f32 v19, v12  }
0x6c: {  	v16 =	vnsel vm14, $0x0, v43;
	vm14 =	vmand vm12, vm13;
	vm3 =	vmand vm15, vm8  }
0x6d: {  	vm12 =	vgt.s32 v4, $0x0;
	vm13 =	vlt.u32 v27, s21;
	vm15 =	vge.u32 v32, s4  }
0x6e: {  	vm8 =	vgt.s32 v1, $0x0;
	v9 =	vadd.f32 v54, v9;
	v18 =	vnsel vm6, $0x0, v45  }
0x6f: {  	v11 =	vadd.f32 v16, v11;
	vm6 =	vgt.s32 v7, $0x0;
	v45 =	vunpack.c.l.s4.s8 v44  }
0x70: {  	v8 =	vnsel vm7, $0x0, v46;
	v10 =	vadd.f32 v18, v10;
	v28 =	vadd.f32 $0.0e+00, v48  }
0x71: {  	vm7 =	vge.u32 v27, s4;
	vm1 =	vmand vm6, vm1;
	vm6 =	vgt.s32 v2, $0x0  }
0x72: {  	v8 =	vadd.f32 v8, v9;
	v29 =	vnsel vm1, $0x0, v49;
	v6 =	vnsel vm0, $0x0, v28  }
0x73: {  	v46 =	vunpack.c.0.s8.s32 v45;
	vm0 =	vmand vm12, vm14;
	v30 =	vadd.f32 v29, v6  }
0x74: {  	v48 =	vimm.s32 $0xBA98FEDC;
	vm14 =	vgt.s32 v3, $0x0;
	v31 =	vnsel vm0, $0x0, v53  }
0x75: {  	vm1 =	vmand vm7, vm13;
	vm0 =	vmand vm14, vm3;
	v4 =	vadd.f32 v31, v30  }
0x76: {  	vm7 =	vlt.u32 v32, s21;
	v40 =	vadd.f32 v10, v11;
	v33 =	vnsel vm0, $0x0, v55  }
0x77: {  	v49 =	vimm.s32 $0x32107654;
	vm0 =	vmand vm6, vm4;
	v34 =	vadd.f32 v33, v4  }
0x78: {  	v50 =	vunpack.c.l.s4.s8 v48;
	vm2 =	vmand vm15, vm7;
	v35 =	vnsel vm0, $0x0, v56;
	s28 =	spop (v2sf)  }
0x79: {  	vm12 =	vgt.s32 v5, $0x0;
	vm0 =	vmand vm8, vm1;
	v2 =	vadd.f32 v35, v34;
	s29 =	ssub.s32 s28, s5  }
0x7a: {  	v41 =	vadd.f32 v12, v8;
	v3 =	vunpack.c.l.s4.s8 v42;
	v37 =	vnsel vm0, $0x0, v57;
	s7 =	sand.u32 $0xFFFFFFF0, s29  }
0x7b: {  	v51 =	vunpack.c.l.s4.s8 v49;
	vm0 =	vmand vm10, vm2;
	v38 =	vadd.f32 v37, v2;
	p0 =	sgt.s32 s7, $0x0  }
0x7c: {  	v1 =	vadd.f32 v41, v40;
	vm1 =	vmand vm9, vm11;
	v39 =	vnsel vm0, $0x0, v59;
	s7 =	simm.s32 @!p0 $0x0  }
0x7d: {  	v3 =	vunpack.c.0.s8.s32 v3;
	vm0 =	vmand vm12, vm1;
	v0 =	vadd.f32 v39, v38;
	s7 =	smin.u32 s7, $0x1870  }
0x7e: {  	v55 =	vimm.s32 $0xDCFE98BA;
	v56 =	vimm.s32 $0x54761032;
	v43 =	vnsel vm0, $0x0, v61;
	v52 =	vld [tilespmem:s7+$0x0]  }
0x7f: {  	v0 =	vadd.f32 v43, v0;
	vm13 =	vge.s32 v24, s4;
	vm14 =	vlt.s32 v24, s21;
	s5 =	ssub.s32 s29, s7  }
0x80: {  	v47 =	vand.u32 $0xF, v3;
	vm0 =	vmand vm13, vm14;
	v54 =	vmov s5  }
0x81: {  	v0 =	vadd.f32 v1, v0;
	v1 =	vcombine.low v47, v46;
	vm15 =	veq.s32 v54, v58  }
0x82: {  	v3 =	vunpack.c.0.s8.s32 v51;
	v2 =	vunpack.c.0.s8.s32 v50;
	vm0 =	vmand vm0, vm15  }
0x83: {  	v6 =	vunpack.c.l.s4.s8 v56;
	v53 =	vperm.xlane v0, v1;
	v4 =	vnsel vm0, $0x0, v52  }
0x84: {  	v2 =	vcombine.low v3, v2;
	v3 =	vunpack.c.l.s4.s8 v55;
	v1 =	vperm.xlane v4, v1  }
0x85: {  	v60 =	vimm.s32 $0x67452301;
	v57 =	vunpack.c.0.s8.s32 v6;
	v0 =	vadd.f32 v53, v0  }
0x86: {  	v2 =	vand.u32 $0xF, v2;
	v3 =	vunpack.c.0.s8.s32 v3;
	v1 =	vadd.f32 v4, v1  }
0x87: {  	v5 =	vunpack.c.l.s4.s8 v60;
	v59 =	vimm.s32 $0xEFCDAB89;
	v58 =	vperm.xlane v0, v2  }
0x88: {  	v3 =	vcombine.low v57, v3;
	v4 =	vunpack.c.l.s4.s8 v59;
	v2 =	vperm.xlane v1, v2  }
0x89: {  	v5 =	vunpack.c.0.s8.s32 v5;
	v0 =	vadd.f32 v58, v0  }
0x8a: {  	v3 =	vand.u32 $0xF, v3;
	v4 =	vunpack.c.0.s8.s32 v4;
	v1 =	vadd.f32 v1, v2  }
0x8b: {  	v61 =	vperm.xlane v0, v3  }
0x8c: {  	v4 =	vcombine.low v5, v4;
	v3 =	vperm.xlane v1, v3  }
0x8d: {  	v0 =	vadd.f32 v61, v0  }
0x8e: {  	v62 =	vand.u32 $0xF, v4;
	v1 =	vadd.f32 v1, v3  }
0x8f: {  	v63 =	vperm.xlane v0, v62  }
0x90: {  	v2 =	vperm.xlane v1, v62  }
0x91: {  	v0 =	vadd.f32 v63, v0  }
0x92: {  	v1 =	vadd.f32 v1, v2  }
0x93: {  	s30 =	sshll.u32 s3, $0x5;
	[tilespmem:$0x3180] =	vst v0  }
0x94: {  	s31 =	simm.s32 $0x3180;
	s4 =	sadd.s32 s30, s2;
	[tilespmem:$0x3190] =	vst v1  }
0x95: {  	[spmem:s4] =	stream.linear.scatter [tilespmem:s31], [sflag:$0x4], $0x20, $0x38;
	[tilespmem:$0x34A0] =	vst v63  }
0x96: {  	s4 =	simm.s32 $0x4  }
0x97: {  	_ =	swait.ge [sflag:s4], $0x20  }
0x98: {  	[sflag:s4] =	ssyncset.done $0x0  }
0x99: {  	[sflag:s4] =	ssyncadd.s32 $0xFFFFFFE0  }
0x9a: {  	p0 =	sne.s32 s3, $0x0;
	[bflag:$0x0] =	sbarrier.arrive $0xFFFF  }
0x9b: {  	_ =	sfence.sel @p0 $0x180000  }
0x9c: {  	[bflag:$0x0] =	sbarrier.arrive @p0 $0xFFFF  }
0x9d: {  	_ =	strace @p0 $0x90000047  }
0x9e: {  	[bflag:$0x2] =	sbarrier.arrive @p0 $0xFFFF  }
0x9f: {  	_ =	shalt @p0  }
.LBB2_3:
0xa0: {  	s3 =	simm.s32 $0x3280  }
0xa1: {  	[tilespmem:s3], [sflag:$0x4] =	stream.linear.gather [spmem:s2], $0x200, $0x38;
	[tilespmem:$0x34A0] =	vst v63  }
0xa2: {  	_ =	swait.ge [sflag:s4], $0x200  }
0xa3: {  	[sflag:s4] =	ssyncset.done $0x0  }
0xa4: {  	[sflag:s4] =	ssyncadd.s32 $0xFFFFFE00  }
0xa5: {  	v0 =	vld [tilespmem:$0x3280]  }
0xa6: {  	v1 =	vld [tilespmem:$0x32A0];
	_ =	sdelay $0x1  }
0xa7: {  	v2 =	vld [tilespmem:$0x32C0];
	_ =	sdelay $0x1  }
0xa8: {  	v3 =	vld [tilespmem:$0x32E0]  }
0xa9: {  	v0 =	vadd.f32 v1, v0  }
0xaa: {  	v29 =	vld [tilespmem:$0x3300]  }
0xab: {  	v0 =	vadd.f32 v2, v0  }
0xac: {  	v30 =	vld [tilespmem:$0x3320]  }
0xad: {  	v0 =	vadd.f32 v3, v0  }
0xae: {  	v31 =	vld [tilespmem:$0x3340]  }
0xaf: {  	v0 =	vadd.f32 v29, v0  }
0xb0: {  	v32 =	vld [tilespmem:$0x3360]  }
0xb1: {  	v0 =	vadd.f32 v30, v0  }
0xb2: {  	v33 =	vld [tilespmem:$0x3380]  }
0xb3: {  	v0 =	vadd.f32 v31, v0  }
0xb4: {  	v34 =	vld [tilespmem:$0x33A0]  }
0xb5: {  	v0 =	vadd.f32 v32, v0  }
0xb6: {  	v35 =	vld [tilespmem:$0x33C0]  }
0xb7: {  	v0 =	vadd.f32 v33, v0  }
0xb8: {  	v36 =	vld [tilespmem:$0x33E0]  }
0xb9: {  	v0 =	vadd.f32 v34, v0  }
0xba: {  	v37 =	vld [tilespmem:$0x3400]  }
0xbb: {  	v0 =	vadd.f32 v35, v0  }
0xbc: {  	v38 =	vld [tilespmem:$0x3420]  }
0xbd: {  	v0 =	vadd.f32 v36, v0  }
0xbe: {  	v39 =	vld [tilespmem:$0x3440]  }
0xbf: {  	v0 =	vadd.f32 v37, v0  }
0xc0: {  	v40 =	vld [tilespmem:$0x3460]  }
0xc1: {  	v0 =	vadd.f32 v38, v0;
	_ =	sdelay $0x1  }
0xc2: {  	v0 =	vadd.f32 v39, v0;
	_ =	sdelay $0x1  }
0xc3: {  	v0 =	vadd.f32 v40, v0;
	_ =	sdelay $0x1  }
0xc4: {  	v41 =	vshrl.u32 v0, $0x17  }
0xc5: {  	v1 =	vand.u32 $0xFF, v41  }
0xc6: {  	v1 =	vadd.s32 $0xFFFFFF81, v1  }
0xc7: {  	v1 =	vcvt.s32.f32 v1;
	_ =	sdelay $0x1  }
0xc8: {  	v1 =	vmul.f32 $6.931471820e-01, v1;
	_ =	sdelay $0x1  }
0xc9: {  	v1 =	vadd.f32 $3.465735910e-01, v1;
	_ =	sdelay $0x1  }
0xca: {  	v42 =	vsub.f32 $0.0e+00, v1;
	_ =	sdelay $0x1  }
0xcb: {  	v2 =	vmul.f32 $1.442695020e+00, v42;
	_ =	sdelay $0x1  }
0xcc: {  	(erf) = vpow2.f32 v2;
	_ =	sdelay $0x8  }
0xcd: {  	v2 =	vpop (erf)  }
0xce: {  	v2 =	vmul.f32 v2, v0;
	_ =	sdelay $0x1  }
0xcf: {  	v1 =	vadd.f32 v2, v1;
	_ =	sdelay $0x1  }
0xd0: {  	v1 =	vadd.f32 $-1.000000000e+00, v1;
	_ =	sdelay $0x1  }
0xd1: {  	v43 =	vsub.f32 $0.0e+00, v1;
	_ =	sdelay $0x1  }
0xd2: {  	v2 =	vmul.f32 $1.442695020e+00, v43;
	_ =	sdelay $0x1  }
0xd3: {  	(erf) = vpow2.f32 v2;
	_ =	sdelay $0x8  }
0xd4: {  	v2 =	vpop (erf)  }
0xd5: {  	v2 =	vmul.f32 v2, v0;
	_ =	sdelay $0x1  }
0xd6: {  	v1 =	vadd.f32 v2, v1;
	_ =	sdelay $0x1  }
0xd7: {  	v1 =	vadd.f32 $-1.000000000e+00, v1;
	_ =	sdelay $0x1  }
0xd8: {  	v44 =	vsub.f32 $0.0e+00, v1;
	_ =	sdelay $0x1  }
0xd9: {  	v2 =	vmul.f32 $1.442695020e+00, v44;
	_ =	sdelay $0x1  }
0xda: {  	(erf) = vpow2.f32 v2;
	_ =	sdelay $0x1  }
0xdb: {  	v45 =	vld [tilespmem:$0x3290]  }
0xdc: {  	v46 =	vld [tilespmem:$0x32B0];
	_ =	sdelay $0x1  }
0xdd: {  	v4 =	vld [tilespmem:$0x32D0];
	_ =	sdelay $0x1  }
0xde: {  	v5 =	vld [tilespmem:$0x32F0]  }
0xdf: {  	v2 =	vadd.f32 v46, v45  }
0xe0: {  	v47 =	vld [tilespmem:$0x3310];
	v6 =	vpop (erf)  }
0xe1: {  	v2 =	vadd.f32 v4, v2;
	v48 =	vmul.f32 v6, v0  }
0xe2: {  	v49 =	vld [tilespmem:$0x3330]  }
0xe3: {  	v2 =	vadd.f32 v5, v2;
	v1 =	vadd.f32 v48, v1  }
0xe4: {  	v50 =	vld [tilespmem:$0x3350]  }
0xe5: {  	v2 =	vadd.f32 v47, v2;
	v1 =	vadd.f32 $-1.000000000e+00, v1  }
0xe6: {  	v51 =	vld [tilespmem:$0x3370]  }
0xe7: {  	v2 =	vadd.f32 v49, v2;
	v52 =	vsub.f32 $0.0e+00, v1  }
0xe8: {  	v53 =	vld [tilespmem:$0x3390]  }
0xe9: {  	v2 =	vadd.f32 v50, v2;
	v54 =	vmul.f32 $1.442695020e+00, v52  }
0xea: {  	v55 =	vld [tilespmem:$0x33B0]  }
0xeb: {  	v2 =	vadd.f32 v51, v2;
	(erf) = vpow2.f32 v54  }
0xec: {  	v56 =	vld [tilespmem:$0x33D0]  }
0xed: {  	v2 =	vadd.f32 v53, v2  }
0xee: {  	v57 =	vld [tilespmem:$0x33F0]  }
0xef: {  	v2 =	vadd.f32 v55, v2  }
0xf0: {  	v58 =	vld [tilespmem:$0x3410]  }
0xf1: {  	v2 =	vadd.f32 v56, v2  }
0xf2: {  	v59 =	vld [tilespmem:$0x3430]  }
0xf3: {  	v2 =	vadd.f32 v57, v2  }
0xf4: {  	v60 =	vld [tilespmem:$0x3450];
	v61 =	vpop (erf)  }
0xf5: {  	v2 =	vadd.f32 v58, v2;
	v0 =	vmul.f32 v61, v0  }
0xf6: {  	v62 =	vld [tilespmem:$0x3470]  }
0xf7: {  	v2 =	vadd.f32 v59, v2;
	v0 =	vadd.f32 v0, v1;
	_ =	sdelay $0x1  }
0xf8: {  	v63 =	vadd.f32 v60, v2;
	v0 =	vadd.f32 $-1.000000000e+00, v0;
	_ =	sdelay $0x1  }
0xf9: {  	v1 =	vadd.f32 v62, v63;
	v0 =	vadd.f32 $1.200000000e+01, v0;
	_ =	sdelay $0x1  }
0xfa: {  	v0 =	vsub.f32 v0, v1;
	_ =	sdelay $0x1  }
0xfb: {  	s30 =	simm.s32 $0x0;
	s31 =	simm.s32 $0x3200;
	[tilespmem:$0x3200] =	vst v0  }
0xfc: {  	[hbm4b:s1+s30] =	stream.linear.scatter [tilespmem:s31], [sflag:$0x4], $0x80, $0x38;
	[tilespmem:$0x34A0] =	vst v63  }
0xfd: {  	_ =	swait.ge [sflag:s4], $0x80  }
0xfe: {  	[sflag:s4] =	ssyncset.done $0x0  }
0xff: {  	[sflag:s4] =	ssyncadd.s32 $0xFFFFFF80  }
0x100: {  	_ =	sfence.sel $0x180000  }
0x101: {  	[bflag:$0x0] =	sbarrier.arrive $0xFFFF  }
0x102: {  	_ =	strace $0x90000047  }
0x103: {  	s0 =	sadd.s32 $0x100000, s0;
	[bflag:$0x2] =	sbarrier.arrive $0xFFFF  }
0x104: {  	[sflag:s0] =	ssyncadd.tile.s32 $0x1;
	_ =	shalt  }
.Lfunc_end2:
_tile_overlayer_lowered:
.L_overlay_start_2:
0x105: {  	(tag) =	ssettag $0x2  }
0x106: {  	s0 =	rddreg [dreg:$0x0];
	s2 =	stileid.u32  }
0x107: {  	s1 =	rddreg [dreg:$0x1];
	p0 =	sne.s32 s2, $0x0  }
0x108: {  	s3 =	rddreg [dreg:$0x2];
	[bflag:$0x3] =	sbarrier.arrive $0xFFFF;
	s2 =	simm.s32 @!p0 $0x1C04  }
0x109: {  	[timem:s3], [sflag:s2] =	dma.local @!p0 [hbm:s0], s1  }
0x10a: {  	s0 =	simm.s32 @!p0 $0x4  }
0x10b: {  	_ =	swait.ge @!p0 [sflag:s0], s1  }
0x10c: {  	s1 =	ssub.s32 @!p0 $0x0, s1;
	[sflag:s0] =	ssyncset.done @!p0 $0x0  }
0x10d: {  	[sflag:s0] =	ssyncadd.s32 @!p0 s1  }
0x10e: {  	[bflag:$0x3] =	sbarrier.arrive $0xFFFF  }
0x10f: {  	_ =	shalt  }

</sc_bundles>
